<compile_context>
chip_gen: v7x
topology: tpu7x:2x2x1
jax: 0.10.2.dev20260603
libtpu: 0.0.44.dev20260713+nightly
codegen_flags: <defaults>
</compile_context>

<pallas_src>
import functools

import jax
import jax.numpy as jnp
from jax import lax
from jax.experimental import pallas as pl
from jax.experimental.pallas import tpu as pltpu
from jax.experimental.pallas import tpu_sc as plsc

DIM = 64
NUM_WORKERS = 32
WIDEN_BLOCK = 4096
NBUF = 4


def _row_major_table(token_table):
    V, D = token_table.shape
    t_t = token_table.T
    grid = (V + WIDEN_BLOCK - 1) // WIDEN_BLOCK
    eye = jnp.eye(D, dtype=jnp.float32)

    def wk(t_ref, eye_ref, o_ref):
        blk = t_ref[...]
        tt = jax.lax.dot_general(
            blk, eye_ref[...], (((0,), (0,)), ((), ())),
            preferred_element_type=jnp.float32,
            precision=jax.lax.Precision.HIGHEST)
        o_ref[:, 0:D] = tt

    return pl.pallas_call(
        wk,
        grid=(grid,),
        in_specs=[
            pl.BlockSpec((D, WIDEN_BLOCK), lambda i: (0, i)),
            pl.BlockSpec((D, D), lambda i: (0, 0)),
        ],
        out_specs=pl.BlockSpec((WIDEN_BLOCK, 2 * D), lambda i: (i, 0)),
        out_shape=jax.ShapeDtypeStruct((V, 2 * D), jnp.float32),
    )(t_t, eye)


def kernel(x, token_table, pos_table):
    B, S = x.shape
    V, D = token_table.shape
    assert B % NUM_WORKERS == 0 and D == DIM
    seqs_per_w = B // NUM_WORKERS
    assert seqs_per_w % NBUF == 0
    SP = 256

    x_pad = jnp.pad(x.astype(jnp.int32) * 2, ((0, 0), (0, SP - S)))
    table_rm = _row_major_table(token_table).reshape(2 * V, D)

    mesh = plsc.VectorSubcoreMesh(core_axis_name="c", subcore_axis_name="s")

    @functools.partial(
        pl.kernel,
        mesh=mesh,
        out_type=jax.ShapeDtypeStruct((B, S, 2 * D), jnp.float32),
        compiler_params=pltpu.CompilerParams(use_tc_tiling_on_sc=False),
        scratch_types=[
            pltpu.VMEM((S, DIM), jnp.float32),
            [pltpu.VMEM((SP,), jnp.int32) for _ in range(NBUF)],
            [pltpu.VMEM((S, DIM), jnp.float32) for _ in range(NBUF)],
            [pltpu.SemaphoreType.DMA for _ in range(NBUF)],
            [pltpu.SemaphoreType.DMA for _ in range(NBUF)],
            [pltpu.SemaphoreType.DMA for _ in range(NBUF)],
        ],
    )
    def k(x_hbm, wide_hbm, pos_hbm, out_hbm, pos_v, idxs, toks, gsems, osems,
          isems):
        wid = lax.axis_index("s") * 2 + lax.axis_index("c")
        base = wid * seqs_per_w
        pltpu.sync_copy(pos_hbm.at[pl.ds(0, S)], pos_v)

        def fire_idx(c, s):
            pltpu.async_copy(x_hbm.at[base + c], idxs[s], isems[s])

        def wait_idx(c, s):
            pltpu.make_async_copy(x_hbm.at[base + c], idxs[s], isems[s]).wait()

        def fire_gather(s):
            pltpu.async_copy(
                wide_hbm.at[idxs[s].at[pl.ds(0, 128)]],
                toks[s].at[pl.ds(0, 128)], gsems[s])
            pltpu.async_copy(
                wide_hbm.at[idxs[s].at[pl.ds(128, S - 128)]],
                toks[s].at[pl.ds(128, S - 128)], gsems[s])

        def wait_gather(s):
            pltpu.make_async_copy(
                wide_hbm.at[idxs[s].at[pl.ds(0, 128)]],
                toks[s].at[pl.ds(0, 128)], gsems[s]).wait()
            pltpu.make_async_copy(
                wide_hbm.at[idxs[s].at[pl.ds(128, S - 128)]],
                toks[s].at[pl.ds(128, S - 128)], gsems[s]).wait()

        def fire_scatter(c, s):
            pltpu.async_copy(
                toks[s], out_hbm.at[base + c, :, pl.ds(0, DIM)], osems[s])

        def wait_scatter(c, s):
            pltpu.make_async_copy(
                toks[s], out_hbm.at[base + c, :, pl.ds(0, DIM)],
                osems[s]).wait()

        def add_chunk(s):
            tok = toks[s]

            def add_body(j, carry):
                for t in range(DIM // 16):
                    sl = pl.ds(t * 16, 16)
                    plsc.addupdate(tok.at[j, sl], pos_v[j, sl])
                return carry

            lax.fori_loop(0, S, add_body, 0, unroll=4)

        for s in range(NBUF - 1):
            pltpu.sync_copy(x_hbm.at[base + s], idxs[s])
            fire_gather(s)
        fire_idx(NBUF - 1, NBUF - 1)

        def body(i, carry):
            for s in range(NBUF):
                c = NBUF * i + s
                wait_gather(s)

                @pl.when(c + NBUF < seqs_per_w)
                def _():
                    fire_idx(c + NBUF, s)
                add_chunk(s)
                fire_scatter(c, s)
                sp = (s + NBUF - 1) % NBUF

                @pl.when(c >= 1)
                def _():
                    wait_scatter(c - 1, sp)

                @pl.when(c + NBUF - 1 < seqs_per_w)
                def _():
                    wait_idx(c + NBUF - 1, sp)
                    fire_gather(sp)
            return carry

        lax.fori_loop(0, seqs_per_w // NBUF, body, 0)
        wait_scatter(seqs_per_w - 1, (seqs_per_w - 1) % NBUF)

    out2 = k(x_pad, table_rm, pos_table)
    return out2[:, :, :DIM]

# --- scband reference (transcript-rebuilt; emitter-appended) ---
"""Pipeline reference for scband-embeddings-17686675325443 (READ-ONLY COPY).

The authoritative reference and input builder live on the scoring server;
editing this copy changes nothing except your own understanding.
"""

import jax, jax.numpy as jnp
import numpy as np

VOCAB = 1000000
DIM = 64
MAX_LEN = 256
BATCH = 4096
SEQ = 200

def setup_inputs(seed: int = 0) -> dict:
    key = jax.random.key(seed)
    k1, k2, k3 = jax.random.split(key, 3)
    x = jax.random.randint(k1, (BATCH, SEQ), 0, VOCAB, dtype=jnp.int64 if jax.config.jax_enable_x64 else jnp.int32)
    token_table = jax.random.normal(k2, (VOCAB, DIM), dtype=jnp.float32)
    pos_table = jax.random.normal(k3, (MAX_LEN, DIM), dtype=jnp.float32)
    return {"x": x, "token_table": token_table, "pos_table": pos_table}

def reference(x, token_table, pos_table):
    # seq_len from input, positions broadcast over batch
    seq_len = x.shape[1]
    positions = jnp.arange(seq_len)[None, :]
    tok = jnp.take(token_table, x, axis=0)          # [B, S, D] gather
    pos = jnp.take(pos_table, positions, axis=0)    # [1, S, D] gather
    out = tok + pos
    # dropout is identity in eval mode (deterministic reference)
    return out

if __name__ == "__main__":
    import jax
    _d = setup_inputs()
    print(jax.jit(kernel)(*tuple(_d.values())))

</pallas_src>

<mosaic_0001>
#map = affine_map<(d0, d1) -> (0, 0)>
#map1 = affine_map<(d0, d1) -> (0, 0, 0)>
module attributes {stable_mosaic.version = 14 : i64} {
  func.func @k(%arg0: i32, %arg1: i32, %arg2: memref<4096x256xi32, #tpu.memory_space<hbm>>, %arg3: memref<2000000x64xf32, #tpu.memory_space<hbm>>, %arg4: memref<256x64xf32, #tpu.memory_space<hbm>>, %arg5: memref<4096x200x128xf32, #tpu.memory_space<hbm>>, %arg6: memref<200x64xf32, #tpu.memory_space<vmem>>, %arg7: memref<256xi32, #tpu.memory_space<vmem>>, %arg8: memref<256xi32, #tpu.memory_space<vmem>>, %arg9: memref<256xi32, #tpu.memory_space<vmem>>, %arg10: memref<256xi32, #tpu.memory_space<vmem>>, %arg11: memref<200x64xf32, #tpu.memory_space<vmem>>, %arg12: memref<200x64xf32, #tpu.memory_space<vmem>>, %arg13: memref<200x64xf32, #tpu.memory_space<vmem>>, %arg14: memref<200x64xf32, #tpu.memory_space<vmem>>, %arg15: memref<!tpu.dma_semaphore, #tpu.memory_space<semaphore_mem>>, %arg16: memref<!tpu.dma_semaphore, #tpu.memory_space<semaphore_mem>>, %arg17: memref<!tpu.dma_semaphore, #tpu.memory_space<semaphore_mem>>, %arg18: memref<!tpu.dma_semaphore, #tpu.memory_space<semaphore_mem>>, %arg19: memref<!tpu.dma_semaphore, #tpu.memory_space<semaphore_mem>>, %arg20: memref<!tpu.dma_semaphore, #tpu.memory_space<semaphore_mem>>, %arg21: memref<!tpu.dma_semaphore, #tpu.memory_space<semaphore_mem>>, %arg22: memref<!tpu.dma_semaphore, #tpu.memory_space<semaphore_mem>>, %arg23: memref<!tpu.dma_semaphore, #tpu.memory_space<semaphore_mem>>, %arg24: memref<!tpu.dma_semaphore, #tpu.memory_space<semaphore_mem>>, %arg25: memref<!tpu.dma_semaphore, #tpu.memory_space<semaphore_mem>>, %arg26: memref<!tpu.dma_semaphore, #tpu.memory_space<semaphore_mem>>) attributes {dimension_semantics = [#tpu.dimension_semantics<core_parallel>, #tpu.dimension_semantics<subcore_parallel>], iteration_bounds = array<i64: 2, 16>, scalar_prefetch = 0 : i64, scratch_operands = 21 : i64, tpu.core_type = #tpu.core_type<sc_vector_subcore>, window_params = [{transform_indices = #map}, {transform_indices = #map}, {transform_indices = #map}, {transform_indices = #map1}]} {
    %mul3A = arith.constant 2 : i32
    %mul3A_0 = arith.muli %arg1, %mul3A : i32
    %add3A = arith.addi %mul3A_0, %arg0 : i32
    %mul3A_1 = arith.constant 128 : i32
    %mul3A_2 = arith.muli %add3A, %mul3A_1 : i32
    "tpu.region"() ({
      %run_scoped3A = tpu.sem_alloc : memref<!tpu.dma_semaphore, #tpu.memory_space<semaphore_mem>>
      %dma_start3A_78 = arith.constant 0 : i32
      %dma_start3A_79 = arith.constant 0 : i32
      %dma_start3A_80 = tpu.memref_slice %arg4[%dma_start3A_78, %dma_start3A_79] : memref<256x64xf32, #tpu.memory_space<hbm>> -> memref<200x64xf32, #tpu.memory_space<hbm>>
      %dma_start3A_81 = arith.constant 0 : i32
      %dma_start3A_82 = arith.constant 0 : i32
      %dma_start3A_83 = tpu.memref_slice %arg4[%dma_start3A_81, %dma_start3A_82] : memref<256x64xf32, #tpu.memory_space<hbm>> -> memref<200x64xf32, #tpu.memory_space<hbm>>
      tpu.enqueue_dma source(%dma_start3A_83 : memref<200x64xf32, #tpu.memory_space<hbm>>) target(%arg6 : memref<200x64xf32, #tpu.memory_space<vmem>>) target_semaphore(%run_scoped3A : memref<!tpu.dma_semaphore, #tpu.memory_space<semaphore_mem>>)
      %dma_wait3A_84 = arith.constant 0 : i32
      %dma_wait3A_85 = arith.constant 0 : i32
      %dma_wait3A_86 = tpu.memref_slice %arg4[%dma_wait3A_84, %dma_wait3A_85] : memref<256x64xf32, #tpu.memory_space<hbm>> -> memref<200x64xf32, #tpu.memory_space<hbm>>
      %dma_wait3A_87 = arith.constant 0 : i32
      %dma_wait3A_88 = arith.constant 0 : i32
      %dma_wait3A_89 = tpu.memref_slice %arg4[%dma_wait3A_87, %dma_wait3A_88] : memref<256x64xf32, #tpu.memory_space<hbm>> -> memref<200x64xf32, #tpu.memory_space<hbm>>
      tpu.wait_dma2 semaphore(%run_scoped3A : memref<!tpu.dma_semaphore, #tpu.memory_space<semaphore_mem>>) src(%dma_wait3A_89 : memref<200x64xf32, #tpu.memory_space<hbm>>) dst(%arg6 : memref<200x64xf32, #tpu.memory_space<vmem>>)
      tpu.yield
    }) : () -> ()
    %add3A_3 = arith.constant 0 : i32
    %add3A_4 = arith.addi %mul3A_2, %add3A_3 : i32
    "tpu.region"() ({
      %run_scoped3A = tpu.sem_alloc : memref<!tpu.dma_semaphore, #tpu.memory_space<semaphore_mem>>
      %dma_start3A_78 = arith.constant 0 : i32
      %dma_start3A_79 = tpu.memref_slice %arg2[%add3A_4, %dma_start3A_78] : memref<4096x256xi32, #tpu.memory_space<hbm>> -> memref<1x256xi32, #tpu.memory_space<hbm>>
      %dma_start3A_80 = tpu.memref_squeeze %dma_start3A_79 : memref<1x256xi32, #tpu.memory_space<hbm>> -> memref<256xi32, #tpu.memory_space<hbm>>
      %dma_start3A_81 = arith.constant 0 : i32
      %dma_start3A_82 = tpu.memref_slice %arg2[%add3A_4, %dma_start3A_81] : memref<4096x256xi32, #tpu.memory_space<hbm>> -> memref<1x256xi32, #tpu.memory_space<hbm>>
      %dma_start3A_83 = tpu.memref_squeeze %dma_start3A_82 : memref<1x256xi32, #tpu.memory_space<hbm>> -> memref<256xi32, #tpu.memory_space<hbm>>
      tpu.enqueue_dma source(%dma_start3A_83 : memref<256xi32, #tpu.memory_space<hbm>>) target(%arg7 : memref<256xi32, #tpu.memory_space<vmem>>) target_semaphore(%run_scoped3A : memref<!tpu.dma_semaphore, #tpu.memory_space<semaphore_mem>>)
      %dma_wait3A_84 = arith.constant 0 : i32
      %dma_wait3A_85 = tpu.memref_slice %arg2[%add3A_4, %dma_wait3A_84] : memref<4096x256xi32, #tpu.memory_space<hbm>> -> memref<1x256xi32, #tpu.memory_space<hbm>>
      %dma_wait3A_86 = tpu.memref_squeeze %dma_wait3A_85 : memref<1x256xi32, #tpu.memory_space<hbm>> -> memref<256xi32, #tpu.memory_space<hbm>>
      %dma_wait3A_87 = arith.constant 0 : i32
      %dma_wait3A_88 = tpu.memref_slice %arg2[%add3A_4, %dma_wait3A_87] : memref<4096x256xi32, #tpu.memory_space<hbm>> -> memref<1x256xi32, #tpu.memory_space<hbm>>
      %dma_wait3A_89 = tpu.memref_squeeze %dma_wait3A_88 : memref<1x256xi32, #tpu.memory_space<hbm>> -> memref<256xi32, #tpu.memory_space<hbm>>
      tpu.wait_dma2 semaphore(%run_scoped3A : memref<!tpu.dma_semaphore, #tpu.memory_space<semaphore_mem>>) src(%dma_wait3A_89 : memref<256xi32, #tpu.memory_space<hbm>>) dst(%arg7 : memref<256xi32, #tpu.memory_space<vmem>>)
      tpu.yield
    }) : () -> ()
    %dma_start3A = arith.constant 0 : i32
    %dma_start3A_5 = arith.constant 0 : i32
    %dma_start3A_6 = tpu.memref_slice %arg11[%dma_start3A, %dma_start3A_5] : memref<200x64xf32, #tpu.memory_space<vmem>> -> memref<128x64xf32, #tpu.memory_space<vmem>>
    %dma_start3A_7 = arith.constant 0 : i32
    %dma_start3A_8 = tpu.memref_slice %arg7[%dma_start3A_7] : memref<256xi32, #tpu.memory_space<vmem>> -> memref<128xi32, #tpu.memory_space<vmem>>
    %dma_start3A_9 = arith.constant 0 : i32
    %dma_start3A_10 = arith.constant 0 : i32
    %dma_start3A_11 = tpu.memref_slice %arg3[%dma_start3A_9, %dma_start3A_10] : memref<2000000x64xf32, #tpu.memory_space<hbm>> -> memref<2000000x64xf32, #tpu.memory_space<hbm>>
    tpu.enqueue_indirect_dma source(%dma_start3A_11 : memref<2000000x64xf32, #tpu.memory_space<hbm>>) target(%dma_start3A_6 : memref<128x64xf32, #tpu.memory_space<vmem>>) offsets(%dma_start3A_8 : memref<128xi32, #tpu.memory_space<vmem>>) semaphore(%arg15 : memref<!tpu.dma_semaphore, #tpu.memory_space<semaphore_mem>>)
    %dma_start3A_12 = arith.constant 128 : i32
    %dma_start3A_13 = arith.constant 0 : i32
    %dma_start3A_14 = tpu.memref_slice %arg11[%dma_start3A_12, %dma_start3A_13] : memref<200x64xf32, #tpu.memory_space<vmem>> -> memref<72x64xf32, #tpu.memory_space<vmem>>
    %dma_start3A_15 = arith.constant 128 : i32
    %dma_start3A_16 = tpu.memref_slice %arg7[%dma_start3A_15] : memref<256xi32, #tpu.memory_space<vmem>> -> memref<72xi32, #tpu.memory_space<vmem>>
    %dma_start3A_17 = arith.constant 0 : i32
    %dma_start3A_18 = arith.constant 0 : i32
    %dma_start3A_19 = tpu.memref_slice %arg3[%dma_start3A_17, %dma_start3A_18] : memref<2000000x64xf32, #tpu.memory_space<hbm>> -> memref<2000000x64xf32, #tpu.memory_space<hbm>>
    tpu.enqueue_indirect_dma source(%dma_start3A_19 : memref<2000000x64xf32, #tpu.memory_space<hbm>>) target(%dma_start3A_14 : memref<72x64xf32, #tpu.memory_space<vmem>>) offsets(%dma_start3A_16 : memref<72xi32, #tpu.memory_space<vmem>>) semaphore(%arg15 : memref<!tpu.dma_semaphore, #tpu.memory_space<semaphore_mem>>)
    %add3A_20 = arith.constant 1 : i32
    %add3A_21 = arith.addi %mul3A_2, %add3A_20 : i32
    "tpu.region"() ({
      %run_scoped3A = tpu.sem_alloc : memref<!tpu.dma_semaphore, #tpu.memory_space<semaphore_mem>>
      %dma_start3A_78 = arith.constant 0 : i32
      %dma_start3A_79 = tpu.memref_slice %arg2[%add3A_21, %dma_start3A_78] : memref<4096x256xi32, #tpu.memory_space<hbm>> -> memref<1x256xi32, #tpu.memory_space<hbm>>
      %dma_start3A_80 = tpu.memref_squeeze %dma_start3A_79 : memref<1x256xi32, #tpu.memory_space<hbm>> -> memref<256xi32, #tpu.memory_space<hbm>>
      %dma_start3A_81 = arith.constant 0 : i32
      %dma_start3A_82 = tpu.memref_slice %arg2[%add3A_21, %dma_start3A_81] : memref<4096x256xi32, #tpu.memory_space<hbm>> -> memref<1x256xi32, #tpu.memory_space<hbm>>
      %dma_start3A_83 = tpu.memref_squeeze %dma_start3A_82 : memref<1x256xi32, #tpu.memory_space<hbm>> -> memref<256xi32, #tpu.memory_space<hbm>>
      tpu.enqueue_dma source(%dma_start3A_83 : memref<256xi32, #tpu.memory_space<hbm>>) target(%arg8 : memref<256xi32, #tpu.memory_space<vmem>>) target_semaphore(%run_scoped3A : memref<!tpu.dma_semaphore, #tpu.memory_space<semaphore_mem>>)
      %dma_wait3A_84 = arith.constant 0 : i32
      %dma_wait3A_85 = tpu.memref_slice %arg2[%add3A_21, %dma_wait3A_84] : memref<4096x256xi32, #tpu.memory_space<hbm>> -> memref<1x256xi32, #tpu.memory_space<hbm>>
      %dma_wait3A_86 = tpu.memref_squeeze %dma_wait3A_85 : memref<1x256xi32, #tpu.memory_space<hbm>> -> memref<256xi32, #tpu.memory_space<hbm>>
      %dma_wait3A_87 = arith.constant 0 : i32
      %dma_wait3A_88 = tpu.memref_slice %arg2[%add3A_21, %dma_wait3A_87] : memref<4096x256xi32, #tpu.memory_space<hbm>> -> memref<1x256xi32, #tpu.memory_space<hbm>>
      %dma_wait3A_89 = tpu.memref_squeeze %dma_wait3A_88 : memref<1x256xi32, #tpu.memory_space<hbm>> -> memref<256xi32, #tpu.memory_space<hbm>>
      tpu.wait_dma2 semaphore(%run_scoped3A : memref<!tpu.dma_semaphore, #tpu.memory_space<semaphore_mem>>) src(%dma_wait3A_89 : memref<256xi32, #tpu.memory_space<hbm>>) dst(%arg8 : memref<256xi32, #tpu.memory_space<vmem>>)
      tpu.yield
    }) : () -> ()
    %dma_start3A_22 = arith.constant 0 : i32
    %dma_start3A_23 = arith.constant 0 : i32
    %dma_start3A_24 = tpu.memref_slice %arg12[%dma_start3A_22, %dma_start3A_23] : memref<200x64xf32, #tpu.memory_space<vmem>> -> memref<128x64xf32, #tpu.memory_space<vmem>>
    %dma_start3A_25 = arith.constant 0 : i32
    %dma_start3A_26 = tpu.memref_slice %arg8[%dma_start3A_25] : memref<256xi32, #tpu.memory_space<vmem>> -> memref<128xi32, #tpu.memory_space<vmem>>
    %dma_start3A_27 = arith.constant 0 : i32
    %dma_start3A_28 = arith.constant 0 : i32
    %dma_start3A_29 = tpu.memref_slice %arg3[%dma_start3A_27, %dma_start3A_28] : memref<2000000x64xf32, #tpu.memory_space<hbm>> -> memref<2000000x64xf32, #tpu.memory_space<hbm>>
    tpu.enqueue_indirect_dma source(%dma_start3A_29 : memref<2000000x64xf32, #tpu.memory_space<hbm>>) target(%dma_start3A_24 : memref<128x64xf32, #tpu.memory_space<vmem>>) offsets(%dma_start3A_26 : memref<128xi32, #tpu.memory_space<vmem>>) semaphore(%arg16 : memref<!tpu.dma_semaphore, #tpu.memory_space<semaphore_mem>>)
    %dma_start3A_30 = arith.constant 128 : i32
    %dma_start3A_31 = arith.constant 0 : i32
    %dma_start3A_32 = tpu.memref_slice %arg12[%dma_start3A_30, %dma_start3A_31] : memref<200x64xf32, #tpu.memory_space<vmem>> -> memref<72x64xf32, #tpu.memory_space<vmem>>
    %dma_start3A_33 = arith.constant 128 : i32
    %dma_start3A_34 = tpu.memref_slice %arg8[%dma_start3A_33] : memref<256xi32, #tpu.memory_space<vmem>> -> memref<72xi32, #tpu.memory_space<vmem>>
    %dma_start3A_35 = arith.constant 0 : i32
    %dma_start3A_36 = arith.constant 0 : i32
    %dma_start3A_37 = tpu.memref_slice %arg3[%dma_start3A_35, %dma_start3A_36] : memref<2000000x64xf32, #tpu.memory_space<hbm>> -> memref<2000000x64xf32, #tpu.memory_space<hbm>>
    tpu.enqueue_indirect_dma source(%dma_start3A_37 : memref<2000000x64xf32, #tpu.memory_space<hbm>>) target(%dma_start3A_32 : memref<72x64xf32, #tpu.memory_space<vmem>>) offsets(%dma_start3A_34 : memref<72xi32, #tpu.memory_space<vmem>>) semaphore(%arg16 : memref<!tpu.dma_semaphore, #tpu.memory_space<semaphore_mem>>)
    %add3A_38 = arith.constant 2 : i32
    %add3A_39 = arith.addi %mul3A_2, %add3A_38 : i32
    "tpu.region"() ({
      %run_scoped3A = tpu.sem_alloc : memref<!tpu.dma_semaphore, #tpu.memory_space<semaphore_mem>>
      %dma_start3A_78 = arith.constant 0 : i32
      %dma_start3A_79 = tpu.memref_slice %arg2[%add3A_39, %dma_start3A_78] : memref<4096x256xi32, #tpu.memory_space<hbm>> -> memref<1x256xi32, #tpu.memory_space<hbm>>
      %dma_start3A_80 = tpu.memref_squeeze %dma_start3A_79 : memref<1x256xi32, #tpu.memory_space<hbm>> -> memref<256xi32, #tpu.memory_space<hbm>>
      %dma_start3A_81 = arith.constant 0 : i32
      %dma_start3A_82 = tpu.memref_slice %arg2[%add3A_39, %dma_start3A_81] : memref<4096x256xi32, #tpu.memory_space<hbm>> -> memref<1x256xi32, #tpu.memory_space<hbm>>
      %dma_start3A_83 = tpu.memref_squeeze %dma_start3A_82 : memref<1x256xi32, #tpu.memory_space<hbm>> -> memref<256xi32, #tpu.memory_space<hbm>>
      tpu.enqueue_dma source(%dma_start3A_83 : memref<256xi32, #tpu.memory_space<hbm>>) target(%arg9 : memref<256xi32, #tpu.memory_space<vmem>>) target_semaphore(%run_scoped3A : memref<!tpu.dma_semaphore, #tpu.memory_space<semaphore_mem>>)
      %dma_wait3A_84 = arith.constant 0 : i32
      %dma_wait3A_85 = tpu.memref_slice %arg2[%add3A_39, %dma_wait3A_84] : memref<4096x256xi32, #tpu.memory_space<hbm>> -> memref<1x256xi32, #tpu.memory_space<hbm>>
      %dma_wait3A_86 = tpu.memref_squeeze %dma_wait3A_85 : memref<1x256xi32, #tpu.memory_space<hbm>> -> memref<256xi32, #tpu.memory_space<hbm>>
      %dma_wait3A_87 = arith.constant 0 : i32
      %dma_wait3A_88 = tpu.memref_slice %arg2[%add3A_39, %dma_wait3A_87] : memref<4096x256xi32, #tpu.memory_space<hbm>> -> memref<1x256xi32, #tpu.memory_space<hbm>>
      %dma_wait3A_89 = tpu.memref_squeeze %dma_wait3A_88 : memref<1x256xi32, #tpu.memory_space<hbm>> -> memref<256xi32, #tpu.memory_space<hbm>>
      tpu.wait_dma2 semaphore(%run_scoped3A : memref<!tpu.dma_semaphore, #tpu.memory_space<semaphore_mem>>) src(%dma_wait3A_89 : memref<256xi32, #tpu.memory_space<hbm>>) dst(%arg9 : memref<256xi32, #tpu.memory_space<vmem>>)
      tpu.yield
    }) : () -> ()
    %dma_start3A_40 = arith.constant 0 : i32
    %dma_start3A_41 = arith.constant 0 : i32
    %dma_start3A_42 = tpu.memref_slice %arg13[%dma_start3A_40, %dma_start3A_41] : memref<200x64xf32, #tpu.memory_space<vmem>> -> memref<128x64xf32, #tpu.memory_space<vmem>>
    %dma_start3A_43 = arith.constant 0 : i32
    %dma_start3A_44 = tpu.memref_slice %arg9[%dma_start3A_43] : memref<256xi32, #tpu.memory_space<vmem>> -> memref<128xi32, #tpu.memory_space<vmem>>
    %dma_start3A_45 = arith.constant 0 : i32
    %dma_start3A_46 = arith.constant 0 : i32
    %dma_start3A_47 = tpu.memref_slice %arg3[%dma_start3A_45, %dma_start3A_46] : memref<2000000x64xf32, #tpu.memory_space<hbm>> -> memref<2000000x64xf32, #tpu.memory_space<hbm>>
    tpu.enqueue_indirect_dma source(%dma_start3A_47 : memref<2000000x64xf32, #tpu.memory_space<hbm>>) target(%dma_start3A_42 : memref<128x64xf32, #tpu.memory_space<vmem>>) offsets(%dma_start3A_44 : memref<128xi32, #tpu.memory_space<vmem>>) semaphore(%arg17 : memref<!tpu.dma_semaphore, #tpu.memory_space<semaphore_mem>>)
    %dma_start3A_48 = arith.constant 128 : i32
    %dma_start3A_49 = arith.constant 0 : i32
    %dma_start3A_50 = tpu.memref_slice %arg13[%dma_start3A_48, %dma_start3A_49] : memref<200x64xf32, #tpu.memory_space<vmem>> -> memref<72x64xf32, #tpu.memory_space<vmem>>
    %dma_start3A_51 = arith.constant 128 : i32
    %dma_start3A_52 = tpu.memref_slice %arg9[%dma_start3A_51] : memref<256xi32, #tpu.memory_space<vmem>> -> memref<72xi32, #tpu.memory_space<vmem>>
    %dma_start3A_53 = arith.constant 0 : i32
    %dma_start3A_54 = arith.constant 0 : i32
    %dma_start3A_55 = tpu.memref_slice %arg3[%dma_start3A_53, %dma_start3A_54] : memref<2000000x64xf32, #tpu.memory_space<hbm>> -> memref<2000000x64xf32, #tpu.memory_space<hbm>>
    tpu.enqueue_indirect_dma source(%dma_start3A_55 : memref<2000000x64xf32, #tpu.memory_space<hbm>>) target(%dma_start3A_50 : memref<72x64xf32, #tpu.memory_space<vmem>>) offsets(%dma_start3A_52 : memref<72xi32, #tpu.memory_space<vmem>>) semaphore(%arg17 : memref<!tpu.dma_semaphore, #tpu.memory_space<semaphore_mem>>)
    %add3A_56 = arith.constant 3 : i32
    %add3A_57 = arith.addi %mul3A_2, %add3A_56 : i32
    %dma_start3A_58 = arith.constant 0 : i32
    %dma_start3A_59 = tpu.memref_slice %arg2[%add3A_57, %dma_start3A_58] : memref<4096x256xi32, #tpu.memory_space<hbm>> -> memref<1x256xi32, #tpu.memory_space<hbm>>
    %dma_start3A_60 = tpu.memref_squeeze %dma_start3A_59 : memref<1x256xi32, #tpu.memory_space<hbm>> -> memref<256xi32, #tpu.memory_space<hbm>>
    %dma_start3A_61 = arith.constant 0 : i32
    %dma_start3A_62 = tpu.memref_slice %arg2[%add3A_57, %dma_start3A_61] : memref<4096x256xi32, #tpu.memory_space<hbm>> -> memref<1x256xi32, #tpu.memory_space<hbm>>
    %dma_start3A_63 = tpu.memref_squeeze %dma_start3A_62 : memref<1x256xi32, #tpu.memory_space<hbm>> -> memref<256xi32, #tpu.memory_space<hbm>>
    tpu.enqueue_dma source(%dma_start3A_63 : memref<256xi32, #tpu.memory_space<hbm>>) target(%arg10 : memref<256xi32, #tpu.memory_space<vmem>>) target_semaphore(%arg26 : memref<!tpu.dma_semaphore, #tpu.memory_space<semaphore_mem>>)
    %scan3A = arith.constant 0 : i32
    %scan3A_64 = arith.constant 0 : i32
    %scan3A_65 = arith.constant 32 : i32
    %scan3A_66 = arith.addi %scan3A_64, %scan3A_65 : i32
    %scan3A_67 = arith.constant 1 : i32
    scf.for %scan3A_78 = %scan3A_64 to %scan3A_66 step %scan3A_67  : i32 {
      %mul3A_79 = arith.constant 4 : i32
      %mul3A_80 = arith.muli %mul3A_79, %scan3A_78 : i32
      %add3A_81 = arith.constant 0 : i32
      %add3A_82 = arith.addi %mul3A_80, %add3A_81 : i32
      %dma_wait3A_83 = arith.constant 0 : i32
      %dma_wait3A_84 = arith.constant 0 : i32
      %dma_wait3A_85 = tpu.memref_slice %arg11[%dma_wait3A_83, %dma_wait3A_84] : memref<200x64xf32, #tpu.memory_space<vmem>> -> memref<128x64xf32, #tpu.memory_space<vmem>>
      %dma_wait3A_86 = arith.constant 0 : i32
      %dma_wait3A_87 = tpu.memref_slice %arg7[%dma_wait3A_86] : memref<256xi32, #tpu.memory_space<vmem>> -> memref<128xi32, #tpu.memory_space<vmem>>
      %dma_wait3A_88 = arith.constant 0 : i32
      %dma_wait3A_89 = arith.constant 0 : i32
      %dma_wait3A_90 = tpu.memref_slice %arg3[%dma_wait3A_88, %dma_wait3A_89] : memref<2000000x64xf32, #tpu.memory_space<hbm>> -> memref<2000000x64xf32, #tpu.memory_space<hbm>>
      tpu.wait_indirect_dma semaphore(%arg15 : memref<!tpu.dma_semaphore, #tpu.memory_space<semaphore_mem>>) src(%dma_wait3A_90 : memref<2000000x64xf32, #tpu.memory_space<hbm>>) dst(%dma_wait3A_85 : memref<128x64xf32, #tpu.memory_space<vmem>>)
      %dma_wait3A_91 = arith.constant 128 : i32
      %dma_wait3A_92 = arith.constant 0 : i32
      %dma_wait3A_93 = tpu.memref_slice %arg11[%dma_wait3A_91, %dma_wait3A_92] : memref<200x64xf32, #tpu.memory_space<vmem>> -> memref<72x64xf32, #tpu.memory_space<vmem>>
      %dma_wait3A_94 = arith.constant 128 : i32
      %dma_wait3A_95 = tpu.memref_slice %arg7[%dma_wait3A_94] : memref<256xi32, #tpu.memory_space<vmem>> -> memref<72xi32, #tpu.memory_space<vmem>>
      %dma_wait3A_96 = arith.constant 0 : i32
      %dma_wait3A_97 = arith.constant 0 : i32
      %dma_wait3A_98 = tpu.memref_slice %arg3[%dma_wait3A_96, %dma_wait3A_97] : memref<2000000x64xf32, #tpu.memory_space<hbm>> -> memref<2000000x64xf32, #tpu.memory_space<hbm>>
      tpu.wait_indirect_dma semaphore(%arg15 : memref<!tpu.dma_semaphore, #tpu.memory_space<semaphore_mem>>) src(%dma_wait3A_98 : memref<2000000x64xf32, #tpu.memory_space<hbm>>) dst(%dma_wait3A_93 : memref<72x64xf32, #tpu.memory_space<vmem>>)
      %add3A_99 = arith.constant 4 : i32
      %add3A_100 = arith.addi %add3A_82, %add3A_99 : i32
      %lt3A = arith.constant 128 : i32
      %lt3A_101 = arith.cmpi slt, %add3A_100, %lt3A : i32
      %convert_element_type3A = arith.extui %lt3A_101 : i1 to i32
      %cond3A = arith.constant 0 : i32
      %cond3A_102 = arith.cmpi ne, %convert_element_type3A, %cond3A : i32
      scf.if %cond3A_102 {
        %add3A_298 = arith.constant 4 : i32
        %add3A_299 = arith.addi %add3A_82, %add3A_298 : i32
        %add3A_300 = arith.addi %mul3A_2, %add3A_299 : i32
        %dma_start3A_301 = arith.constant 0 : i32
        %dma_start3A_302 = tpu.memref_slice %arg2[%add3A_300, %dma_start3A_301] : memref<4096x256xi32, #tpu.memory_space<hbm>> -> memref<1x256xi32, #tpu.memory_space<hbm>>
        %dma_start3A_303 = tpu.memref_squeeze %dma_start3A_302 : memref<1x256xi32, #tpu.memory_space<hbm>> -> memref<256xi32, #tpu.memory_space<hbm>>
        %dma_start3A_304 = arith.constant 0 : i32
        %dma_start3A_305 = tpu.memref_slice %arg2[%add3A_300, %dma_start3A_304] : memref<4096x256xi32, #tpu.memory_space<hbm>> -> memref<1x256xi32, #tpu.memory_space<hbm>>
        %dma_start3A_306 = tpu.memref_squeeze %dma_start3A_305 : memref<1x256xi32, #tpu.memory_space<hbm>> -> memref<256xi32, #tpu.memory_space<hbm>>
        tpu.enqueue_dma source(%dma_start3A_306 : memref<256xi32, #tpu.memory_space<hbm>>) target(%arg7 : memref<256xi32, #tpu.memory_space<vmem>>) target_semaphore(%arg23 : memref<!tpu.dma_semaphore, #tpu.memory_space<semaphore_mem>>)
      } else {
      }
      %scan3A_103 = arith.constant 0 : i32
      %scan3A_104 = arith.constant 0 : i32
      %scan3A_105 = arith.constant 200 : i32
      %scan3A_106 = arith.addi %scan3A_104, %scan3A_105 : i32
      %scan3A_107 = arith.constant 4 : i32
      scf.for %scan3A_298 = %scan3A_104 to %scan3A_106 step %scan3A_107  : i32 {
        %get3A = arith.index_cast %scan3A_298 : i32 to index
        %get3A_299 = arith.constant 0 : index
        %get3A_300 = tpu.vector_load %arg6[%get3A, %get3A_299] {strides = array<i32>} : memref<200x64xf32, #tpu.memory_space<vmem>>, vector<1x16xf32>,
        %get3A_301 = vector.shape_cast %get3A_300 : vector<1x16xf32> to vector<16xf32>
        %swap3A = arith.index_cast %scan3A_298 : i32 to index
        %swap3A_302 = arith.constant 0 : index
        %swap3A_303 = tpu.vector_load %arg11[%swap3A, %swap3A_302] {strides = array<i32>} : memref<200x64xf32, #tpu.memory_space<vmem>>, vector<1x16xf32>,
        %swap3A_304 = vector.shape_cast %swap3A_303 : vector<1x16xf32> to vector<16xf32>
        %swap3A_305 = vector.shape_cast %get3A_301 : vector<16xf32> to vector<1x16xf32>
        tpu.vector_store %arg11[%swap3A, %swap3A_302], %swap3A_305 {add = true, strides = array<i32>} : memref<200x64xf32, #tpu.memory_space<vmem>>, vector<1x16xf32>,
        %get3A_306 = arith.index_cast %scan3A_298 : i32 to index
        %get3A_307 = arith.constant 16 : index
        %get3A_308 = tpu.vector_load %arg6[%get3A_306, %get3A_307] {strides = array<i32>} : memref<200x64xf32, #tpu.memory_space<vmem>>, vector<1x16xf32>,
        %get3A_309 = vector.shape_cast %get3A_308 : vector<1x16xf32> to vector<16xf32>
        %swap3A_310 = arith.index_cast %scan3A_298 : i32 to index
        %swap3A_311 = arith.constant 16 : index
        %swap3A_312 = tpu.vector_load %arg11[%swap3A_310, %swap3A_311] {strides = array<i32>} : memref<200x64xf32, #tpu.memory_space<vmem>>, vector<1x16xf32>,
        %swap3A_313 = vector.shape_cast %swap3A_312 : vector<1x16xf32> to vector<16xf32>
        %swap3A_314 = vector.shape_cast %get3A_309 : vector<16xf32> to vector<1x16xf32>
        tpu.vector_store %arg11[%swap3A_310, %swap3A_311], %swap3A_314 {add = true, strides = array<i32>} : memref<200x64xf32, #tpu.memory_space<vmem>>, vector<1x16xf32>,
        %get3A_315 = arith.index_cast %scan3A_298 : i32 to index
        %get3A_316 = arith.constant 32 : index
        %get3A_317 = tpu.vector_load %arg6[%get3A_315, %get3A_316] {strides = array<i32>} : memref<200x64xf32, #tpu.memory_space<vmem>>, vector<1x16xf32>,
        %get3A_318 = vector.shape_cast %get3A_317 : vector<1x16xf32> to vector<16xf32>
        %swap3A_319 = arith.index_cast %scan3A_298 : i32 to index
        %swap3A_320 = arith.constant 32 : index
        %swap3A_321 = tpu.vector_load %arg11[%swap3A_319, %swap3A_320] {strides = array<i32>} : memref<200x64xf32, #tpu.memory_space<vmem>>, vector<1x16xf32>,
        %swap3A_322 = vector.shape_cast %swap3A_321 : vector<1x16xf32> to vector<16xf32>
        %swap3A_323 = vector.shape_cast %get3A_318 : vector<16xf32> to vector<1x16xf32>
        tpu.vector_store %arg11[%swap3A_319, %swap3A_320], %swap3A_323 {add = true, strides = array<i32>} : memref<200x64xf32, #tpu.memory_space<vmem>>, vector<1x16xf32>,
        %get3A_324 = arith.index_cast %scan3A_298 : i32 to index
        %get3A_325 = arith.constant 48 : index
        %get3A_326 = tpu.vector_load %arg6[%get3A_324, %get3A_325] {strides = array<i32>} : memref<200x64xf32, #tpu.memory_space<vmem>>, vector<1x16xf32>,
        %get3A_327 = vector.shape_cast %get3A_326 : vector<1x16xf32> to vector<16xf32>
        %swap3A_328 = arith.index_cast %scan3A_298 : i32 to index
        %swap3A_329 = arith.constant 48 : index
        %swap3A_330 = tpu.vector_load %arg11[%swap3A_328, %swap3A_329] {strides = array<i32>} : memref<200x64xf32, #tpu.memory_space<vmem>>, vector<1x16xf32>,
        %swap3A_331 = vector.shape_cast %swap3A_330 : vector<1x16xf32> to vector<16xf32>
        %swap3A_332 = vector.shape_cast %get3A_327 : vector<16xf32> to vector<1x16xf32>
        tpu.vector_store %arg11[%swap3A_328, %swap3A_329], %swap3A_332 {add = true, strides = array<i32>} : memref<200x64xf32, #tpu.memory_space<vmem>>, vector<1x16xf32>,
        %scan3A_333 = arith.constant 1 : i32
        %scan3A_334 = arith.addi %scan3A_298, %scan3A_333 : i32
        %get3A_335 = arith.index_cast %scan3A_334 : i32 to index
        %get3A_336 = arith.constant 0 : index
        %get3A_337 = tpu.vector_load %arg6[%get3A_335, %get3A_336] {strides = array<i32>} : memref<200x64xf32, #tpu.memory_space<vmem>>, vector<1x16xf32>,
        %get3A_338 = vector.shape_cast %get3A_337 : vector<1x16xf32> to vector<16xf32>
        %swap3A_339 = arith.index_cast %scan3A_334 : i32 to index
        %swap3A_340 = arith.constant 0 : index
        %swap3A_341 = tpu.vector_load %arg11[%swap3A_339, %swap3A_340] {strides = array<i32>} : memref<200x64xf32, #tpu.memory_space<vmem>>, vector<1x16xf32>,
        %swap3A_342 = vector.shape_cast %swap3A_341 : vector<1x16xf32> to vector<16xf32>
        %swap3A_343 = vector.shape_cast %get3A_338 : vector<16xf32> to vector<1x16xf32>
        tpu.vector_store %arg11[%swap3A_339, %swap3A_340], %swap3A_343 {add = true, strides = array<i32>} : memref<200x64xf32, #tpu.memory_space<vmem>>, vector<1x16xf32>,
        %get3A_344 = arith.index_cast %scan3A_334 : i32 to index
        %get3A_345 = arith.constant 16 : index
        %get3A_346 = tpu.vector_load %arg6[%get3A_344, %get3A_345] {strides = array<i32>} : memref<200x64xf32, #tpu.memory_space<vmem>>, vector<1x16xf32>,
        %get3A_347 = vector.shape_cast %get3A_346 : vector<1x16xf32> to vector<16xf32>
        %swap3A_348 = arith.index_cast %scan3A_334 : i32 to index
        %swap3A_349 = arith.constant 16 : index
        %swap3A_350 = tpu.vector_load %arg11[%swap3A_348, %swap3A_349] {strides = array<i32>} : memref<200x64xf32, #tpu.memory_space<vmem>>, vector<1x16xf32>,
        %swap3A_351 = vector.shape_cast %swap3A_350 : vector<1x16xf32> to vector<16xf32>
        %swap3A_352 = vector.shape_cast %get3A_347 : vector<16xf32> to vector<1x16xf32>
        tpu.vector_store %arg11[%swap3A_348, %swap3A_349], %swap3A_352 {add = true, strides = array<i32>} : memref<200x64xf32, #tpu.memory_space<vmem>>, vector<1x16xf32>,
        %get3A_353 = arith.index_cast %scan3A_334 : i32 to index
        %get3A_354 = arith.constant 32 : index
        %get3A_355 = tpu.vector_load %arg6[%get3A_353, %get3A_354] {strides = array<i32>} : memref<200x64xf32, #tpu.memory_space<vmem>>, vector<1x16xf32>,
        %get3A_356 = vector.shape_cast %get3A_355 : vector<1x16xf32> to vector<16xf32>
        %swap3A_357 = arith.index_cast %scan3A_334 : i32 to index
        %swap3A_358 = arith.constant 32 : index
        %swap3A_359 = tpu.vector_load %arg11[%swap3A_357, %swap3A_358] {strides = array<i32>} : memref<200x64xf32, #tpu.memory_space<vmem>>, vector<1x16xf32>,
        %swap3A_360 = vector.shape_cast %swap3A_359 : vector<1x16xf32> to vector<16xf32>
        %swap3A_361 = vector.shape_cast %get3A_356 : vector<16xf32> to vector<1x16xf32>
        tpu.vector_store %arg11[%swap3A_357, %swap3A_358], %swap3A_361 {add = true, strides = array<i32>} : memref<200x64xf32, #tpu.memory_space<vmem>>, vector<1x16xf32>,
        %get3A_362 = arith.index_cast %scan3A_334 : i32 to index
        %get3A_363 = arith.constant 48 : index
        %get3A_364 = tpu.vector_load %arg6[%get3A_362, %get3A_363] {strides = array<i32>} : memref<200x64xf32, #tpu.memory_space<vmem>>, vector<1x16xf32>,
        %get3A_365 = vector.shape_cast %get3A_364 : vector<1x16xf32> to vector<16xf32>
        %swap3A_366 = arith.index_cast %scan3A_334 : i32 to index
        %swap3A_367 = arith.constant 48 : index
        %swap3A_368 = tpu.vector_load %arg11[%swap3A_366, %swap3A_367] {strides = array<i32>} : memref<200x64xf32, #tpu.memory_space<vmem>>, vector<1x16xf32>,
        %swap3A_369 = vector.shape_cast %swap3A_368 : vector<1x16xf32> to vector<16xf32>
        %swap3A_370 = vector.shape_cast %get3A_365 : vector<16xf32> to vector<1x16xf32>
        tpu.vector_store %arg11[%swap3A_366, %swap3A_367], %swap3A_370 {add = true, strides = array<i32>} : memref<200x64xf32, #tpu.memory_space<vmem>>, vector<1x16xf32>,
        %scan3A_371 = arith.constant 2 : i32
        %scan3A_372 = arith.addi %scan3A_298, %scan3A_371 : i32
        %get3A_373 = arith.index_cast %scan3A_372 : i32 to index
        %get3A_374 = arith.constant 0 : index
        %get3A_375 = tpu.vector_load %arg6[%get3A_373, %get3A_374] {strides = array<i32>} : memref<200x64xf32, #tpu.memory_space<vmem>>, vector<1x16xf32>,
        %get3A_376 = vector.shape_cast %get3A_375 : vector<1x16xf32> to vector<16xf32>
        %swap3A_377 = arith.index_cast %scan3A_372 : i32 to index
        %swap3A_378 = arith.constant 0 : index
        %swap3A_379 = tpu.vector_load %arg11[%swap3A_377, %swap3A_378] {strides = array<i32>} : memref<200x64xf32, #tpu.memory_space<vmem>>, vector<1x16xf32>,
        %swap3A_380 = vector.shape_cast %swap3A_379 : vector<1x16xf32> to vector<16xf32>
        %swap3A_381 = vector.shape_cast %get3A_376 : vector<16xf32> to vector<1x16xf32>
        tpu.vector_store %arg11[%swap3A_377, %swap3A_378], %swap3A_381 {add = true, strides = array<i32>} : memref<200x64xf32, #tpu.memory_space<vmem>>, vector<1x16xf32>,
        %get3A_382 = arith.index_cast %scan3A_372 : i32 to index
        %get3A_383 = arith.constant 16 : index
        %get3A_384 = tpu.vector_load %arg6[%get3A_382, %get3A_383] {strides = array<i32>} : memref<200x64xf32, #tpu.memory_space<vmem>>, vector<1x16xf32>,
        %get3A_385 = vector.shape_cast %get3A_384 : vector<1x16xf32> to vector<16xf32>
        %swap3A_386 = arith.index_cast %scan3A_372 : i32 to index
        %swap3A_387 = arith.constant 16 : index
        %swap3A_388 = tpu.vector_load %arg11[%swap3A_386, %swap3A_387] {strides = array<i32>} : memref<200x64xf32, #tpu.memory_space<vmem>>, vector<1x16xf32>,
        %swap3A_389 = vector.shape_cast %swap3A_388 : vector<1x16xf32> to vector<16xf32>
        %swap3A_390 = vector.shape_cast %get3A_385 : vector<16xf32> to vector<1x16xf32>
        tpu.vector_store %arg11[%swap3A_386, %swap3A_387], %swap3A_390 {add = true, strides = array<i32>} : memref<200x64xf32, #tpu.memory_space<vmem>>, vector<1x16xf32>,
        %get3A_391 = arith.index_cast %scan3A_372 : i32 to index
        %get3A_392 = arith.constant 32 : index
        %get3A_393 = tpu.vector_load %arg6[%get3A_391, %get3A_392] {strides = array<i32>} : memref<200x64xf32, #tpu.memory_space<vmem>>, vector<1x16xf32>,
        %get3A_394 = vector.shape_cast %get3A_393 : vector<1x16xf32> to vector<16xf32>
        %swap3A_395 = arith.index_cast %scan3A_372 : i32 to index
        %swap3A_396 = arith.constant 32 : index
        %swap3A_397 = tpu.vector_load %arg11[%swap3A_395, %swap3A_396] {strides = array<i32>} : memref<200x64xf32, #tpu.memory_space<vmem>>, vector<1x16xf32>,
        %swap3A_398 = vector.shape_cast %swap3A_397 : vector<1x16xf32> to vector<16xf32>
        %swap3A_399 = vector.shape_cast %get3A_394 : vector<16xf32> to vector<1x16xf32>
        tpu.vector_store %arg11[%swap3A_395, %swap3A_396], %swap3A_399 {add = true, strides = array<i32>} : memref<200x64xf32, #tpu.memory_space<vmem>>, vector<1x16xf32>,
        %get3A_400 = arith.index_cast %scan3A_372 : i32 to index
        %get3A_401 = arith.constant 48 : index
        %get3A_402 = tpu.vector_load %arg6[%get3A_400, %get3A_401] {strides = array<i32>} : memref<200x64xf32, #tpu.memory_space<vmem>>, vector<1x16xf32>,
        %get3A_403 = vector.shape_cast %get3A_402 : vector<1x16xf32> to vector<16xf32>
        %swap3A_404 = arith.index_cast %scan3A_372 : i32 to index
        %swap3A_405 = arith.constant 48 : index
        %swap3A_406 = tpu.vector_load %arg11[%swap3A_404, %swap3A_405] {strides = array<i32>} : memref<200x64xf32, #tpu.memory_space<vmem>>, vector<1x16xf32>,
        %swap3A_407 = vector.shape_cast %swap3A_406 : vector<1x16xf32> to vector<16xf32>
        %swap3A_408 = vector.shape_cast %get3A_403 : vector<16xf32> to vector<1x16xf32>
        tpu.vector_store %arg11[%swap3A_404, %swap3A_405], %swap3A_408 {add = true, strides = array<i32>} : memref<200x64xf32, #tpu.memory_space<vmem>>, vector<1x16xf32>,
        %scan3A_409 = arith.constant 3 : i32
        %scan3A_410 = arith.addi %scan3A_298, %scan3A_409 : i32
        %get3A_411 = arith.index_cast %scan3A_410 : i32 to index
        %get3A_412 = arith.constant 0 : index
        %get3A_413 = tpu.vector_load %arg6[%get3A_411, %get3A_412] {strides = array<i32>} : memref<200x64xf32, #tpu.memory_space<vmem>>, vector<1x16xf32>,
        %get3A_414 = vector.shape_cast %get3A_413 : vector<1x16xf32> to vector<16xf32>
        %swap3A_415 = arith.index_cast %scan3A_410 : i32 to index
        %swap3A_416 = arith.constant 0 : index
        %swap3A_417 = tpu.vector_load %arg11[%swap3A_415, %swap3A_416] {strides = array<i32>} : memref<200x64xf32, #tpu.memory_space<vmem>>, vector<1x16xf32>,
        %swap3A_418 = vector.shape_cast %swap3A_417 : vector<1x16xf32> to vector<16xf32>
        %swap3A_419 = vector.shape_cast %get3A_414 : vector<16xf32> to vector<1x16xf32>
        tpu.vector_store %arg11[%swap3A_415, %swap3A_416], %swap3A_419 {add = true, strides = array<i32>} : memref<200x64xf32, #tpu.memory_space<vmem>>, vector<1x16xf32>,
        %get3A_420 = arith.index_cast %scan3A_410 : i32 to index
        %get3A_421 = arith.constant 16 : index
        %get3A_422 = tpu.vector_load %arg6[%get3A_420, %get3A_421] {strides = array<i32>} : memref<200x64xf32, #tpu.memory_space<vmem>>, vector<1x16xf32>,
        %get3A_423 = vector.shape_cast %get3A_422 : vector<1x16xf32> to vector<16xf32>
        %swap3A_424 = arith.index_cast %scan3A_410 : i32 to index
        %swap3A_425 = arith.constant 16 : index
        %swap3A_426 = tpu.vector_load %arg11[%swap3A_424, %swap3A_425] {strides = array<i32>} : memref<200x64xf32, #tpu.memory_space<vmem>>, vector<1x16xf32>,
        %swap3A_427 = vector.shape_cast %swap3A_426 : vector<1x16xf32> to vector<16xf32>
        %swap3A_428 = vector.shape_cast %get3A_423 : vector<16xf32> to vector<1x16xf32>
        tpu.vector_store %arg11[%swap3A_424, %swap3A_425], %swap3A_428 {add = true, strides = array<i32>} : memref<200x64xf32, #tpu.memory_space<vmem>>, vector<1x16xf32>,
        %get3A_429 = arith.index_cast %scan3A_410 : i32 to index
        %get3A_430 = arith.constant 32 : index
        %get3A_431 = tpu.vector_load %arg6[%get3A_429, %get3A_430] {strides = array<i32>} : memref<200x64xf32, #tpu.memory_space<vmem>>, vector<1x16xf32>,
        %get3A_432 = vector.shape_cast %get3A_431 : vector<1x16xf32> to vector<16xf32>
        %swap3A_433 = arith.index_cast %scan3A_410 : i32 to index
        %swap3A_434 = arith.constant 32 : index
        %swap3A_435 = tpu.vector_load %arg11[%swap3A_433, %swap3A_434] {strides = array<i32>} : memref<200x64xf32, #tpu.memory_space<vmem>>, vector<1x16xf32>,
        %swap3A_436 = vector.shape_cast %swap3A_435 : vector<1x16xf32> to vector<16xf32>
        %swap3A_437 = vector.shape_cast %get3A_432 : vector<16xf32> to vector<1x16xf32>
        tpu.vector_store %arg11[%swap3A_433, %swap3A_434], %swap3A_437 {add = true, strides = array<i32>} : memref<200x64xf32, #tpu.memory_space<vmem>>, vector<1x16xf32>,
        %get3A_438 = arith.index_cast %scan3A_410 : i32 to index
        %get3A_439 = arith.constant 48 : index
        %get3A_440 = tpu.vector_load %arg6[%get3A_438, %get3A_439] {strides = array<i32>} : memref<200x64xf32, #tpu.memory_space<vmem>>, vector<1x16xf32>,
        %get3A_441 = vector.shape_cast %get3A_440 : vector<1x16xf32> to vector<16xf32>
        %swap3A_442 = arith.index_cast %scan3A_410 : i32 to index
        %swap3A_443 = arith.constant 48 : index
        %swap3A_444 = tpu.vector_load %arg11[%swap3A_442, %swap3A_443] {strides = array<i32>} : memref<200x64xf32, #tpu.memory_space<vmem>>, vector<1x16xf32>,
        %swap3A_445 = vector.shape_cast %swap3A_444 : vector<1x16xf32> to vector<16xf32>
        %swap3A_446 = vector.shape_cast %get3A_441 : vector<16xf32> to vector<1x16xf32>
        tpu.vector_store %arg11[%swap3A_442, %swap3A_443], %swap3A_446 {add = true, strides = array<i32>} : memref<200x64xf32, #tpu.memory_space<vmem>>, vector<1x16xf32>,
      }
      %scan3A_108 = arith.constant 200 : i32
      %add3A_109 = arith.addi %mul3A_2, %add3A_82 : i32
      %dma_start3A_110 = arith.constant 0 : i32
      %dma_start3A_111 = arith.constant 0 : i32
      %dma_start3A_112 = tpu.memref_slice %arg5[%add3A_109, %dma_start3A_110, %dma_start3A_111] : memref<4096x200x128xf32, #tpu.memory_space<hbm>> -> memref<1x200x64xf32, #tpu.memory_space<hbm>>
      %dma_start3A_113 = tpu.memref_squeeze %dma_start3A_112 : memref<1x200x64xf32, #tpu.memory_space<hbm>> -> memref<200x64xf32, #tpu.memory_space<hbm>>
      %dma_start3A_114 = arith.constant 0 : i32
      %dma_start3A_115 = arith.constant 0 : i32
      %dma_start3A_116 = tpu.memref_slice %arg5[%add3A_109, %dma_start3A_114, %dma_start3A_115] : memref<4096x200x128xf32, #tpu.memory_space<hbm>> -> memref<1x200x64xf32, #tpu.memory_space<hbm>>
      %dma_start3A_117 = tpu.memref_squeeze %dma_start3A_116 : memref<1x200x64xf32, #tpu.memory_space<hbm>> -> memref<200x64xf32, #tpu.memory_space<hbm>>
      tpu.enqueue_dma source(%arg11 : memref<200x64xf32, #tpu.memory_space<vmem>>) target(%dma_start3A_117 : memref<200x64xf32, #tpu.memory_space<hbm>>) target_semaphore(%arg19 : memref<!tpu.dma_semaphore, #tpu.memory_space<semaphore_mem>>)
      %ge3A = arith.constant 1 : i32
      %ge3A_118 = arith.cmpi sge, %add3A_82, %ge3A : i32
      %convert_element_type3A_119 = arith.extui %ge3A_118 : i1 to i32
      %cond3A_120 = arith.constant 0 : i32
      %cond3A_121 = arith.cmpi ne, %convert_element_type3A_119, %cond3A_120 : i32
      scf.if %cond3A_121 {
        %sub3A_298 = arith.constant 1 : i32
        %sub3A_299 = arith.subi %add3A_82, %sub3A_298 : i32
        %add3A_300 = arith.addi %mul3A_2, %sub3A_299 : i32
        %dma_wait3A_301 = arith.constant 0 : i32
        %dma_wait3A_302 = arith.constant 0 : i32
        %dma_wait3A_303 = tpu.memref_slice %arg5[%add3A_300, %dma_wait3A_301, %dma_wait3A_302] : memref<4096x200x128xf32, #tpu.memory_space<hbm>> -> memref<1x200x64xf32, #tpu.memory_space<hbm>>
        %dma_wait3A_304 = tpu.memref_squeeze %dma_wait3A_303 : memref<1x200x64xf32, #tpu.memory_space<hbm>> -> memref<200x64xf32, #tpu.memory_space<hbm>>
        %dma_wait3A_305 = arith.constant 0 : i32
        %dma_wait3A_306 = arith.constant 0 : i32
        %dma_wait3A_307 = tpu.memref_slice %arg5[%add3A_300, %dma_wait3A_305, %dma_wait3A_306] : memref<4096x200x128xf32, #tpu.memory_space<hbm>> -> memref<1x200x64xf32, #tpu.memory_space<hbm>>
        %dma_wait3A_308 = tpu.memref_squeeze %dma_wait3A_307 : memref<1x200x64xf32, #tpu.memory_space<hbm>> -> memref<200x64xf32, #tpu.memory_space<hbm>>
        tpu.wait_dma2 semaphore(%arg22 : memref<!tpu.dma_semaphore, #tpu.memory_space<semaphore_mem>>) src(%arg14 : memref<200x64xf32, #tpu.memory_space<vmem>>) dst(%dma_wait3A_308 : memref<200x64xf32, #tpu.memory_space<hbm>>)
      } else {
      }
      %add3A_122 = arith.constant 4 : i32
      %add3A_123 = arith.addi %add3A_82, %add3A_122 : i32
      %sub3A = arith.constant 1 : i32
      %sub3A_124 = arith.subi %add3A_123, %sub3A : i32
      %lt3A_125 = arith.constant 128 : i32
      %lt3A_126 = arith.cmpi slt, %sub3A_124, %lt3A_125 : i32
      %convert_element_type3A_127 = arith.extui %lt3A_126 : i1 to i32
      %cond3A_128 = arith.constant 0 : i32
      %cond3A_129 = arith.cmpi ne, %convert_element_type3A_127, %cond3A_128 : i32
      scf.if %cond3A_129 {
        %add3A_298 = arith.constant 4 : i32
        %add3A_299 = arith.addi %add3A_82, %add3A_298 : i32
        %sub3A_300 = arith.constant 1 : i32
        %sub3A_301 = arith.subi %add3A_299, %sub3A_300 : i32
        %add3A_302 = arith.addi %mul3A_2, %sub3A_301 : i32
        %dma_wait3A_303 = arith.constant 0 : i32
        %dma_wait3A_304 = tpu.memref_slice %arg2[%add3A_302, %dma_wait3A_303] : memref<4096x256xi32, #tpu.memory_space<hbm>> -> memref<1x256xi32, #tpu.memory_space<hbm>>
        %dma_wait3A_305 = tpu.memref_squeeze %dma_wait3A_304 : memref<1x256xi32, #tpu.memory_space<hbm>> -> memref<256xi32, #tpu.memory_space<hbm>>
        %dma_wait3A_306 = arith.constant 0 : i32
        %dma_wait3A_307 = tpu.memref_slice %arg2[%add3A_302, %dma_wait3A_306] : memref<4096x256xi32, #tpu.memory_space<hbm>> -> memref<1x256xi32, #tpu.memory_space<hbm>>
        %dma_wait3A_308 = tpu.memref_squeeze %dma_wait3A_307 : memref<1x256xi32, #tpu.memory_space<hbm>> -> memref<256xi32, #tpu.memory_space<hbm>>
        tpu.wait_dma2 semaphore(%arg26 : memref<!tpu.dma_semaphore, #tpu.memory_space<semaphore_mem>>) src(%dma_wait3A_308 : memref<256xi32, #tpu.memory_space<hbm>>) dst(%arg10 : memref<256xi32, #tpu.memory_space<vmem>>)
        %dma_start3A_309 = arith.constant 0 : i32
        %dma_start3A_310 = arith.constant 0 : i32
        %dma_start3A_311 = tpu.memref_slice %arg14[%dma_start3A_309, %dma_start3A_310] : memref<200x64xf32, #tpu.memory_space<vmem>> -> memref<128x64xf32, #tpu.memory_space<vmem>>
        %dma_start3A_312 = arith.constant 0 : i32
        %dma_start3A_313 = tpu.memref_slice %arg10[%dma_start3A_312] : memref<256xi32, #tpu.memory_space<vmem>> -> memref<128xi32, #tpu.memory_space<vmem>>
        %dma_start3A_314 = arith.constant 0 : i32
        %dma_start3A_315 = arith.constant 0 : i32
        %dma_start3A_316 = tpu.memref_slice %arg3[%dma_start3A_314, %dma_start3A_315] : memref<2000000x64xf32, #tpu.memory_space<hbm>> -> memref<2000000x64xf32, #tpu.memory_space<hbm>>
        tpu.enqueue_indirect_dma source(%dma_start3A_316 : memref<2000000x64xf32, #tpu.memory_space<hbm>>) target(%dma_start3A_311 : memref<128x64xf32, #tpu.memory_space<vmem>>) offsets(%dma_start3A_313 : memref<128xi32, #tpu.memory_space<vmem>>) semaphore(%arg18 : memref<!tpu.dma_semaphore, #tpu.memory_space<semaphore_mem>>)
        %dma_start3A_317 = arith.constant 128 : i32
        %dma_start3A_318 = arith.constant 0 : i32
        %dma_start3A_319 = tpu.memref_slice %arg14[%dma_start3A_317, %dma_start3A_318] : memref<200x64xf32, #tpu.memory_space<vmem>> -> memref<72x64xf32, #tpu.memory_space<vmem>>
        %dma_start3A_320 = arith.constant 128 : i32
        %dma_start3A_321 = tpu.memref_slice %arg10[%dma_start3A_320] : memref<256xi32, #tpu.memory_space<vmem>> -> memref<72xi32, #tpu.memory_space<vmem>>
        %dma_start3A_322 = arith.constant 0 : i32
        %dma_start3A_323 = arith.constant 0 : i32
        %dma_start3A_324 = tpu.memref_slice %arg3[%dma_start3A_322, %dma_start3A_323] : memref<2000000x64xf32, #tpu.memory_space<hbm>> -> memref<2000000x64xf32, #tpu.memory_space<hbm>>
        tpu.enqueue_indirect_dma source(%dma_start3A_324 : memref<2000000x64xf32, #tpu.memory_space<hbm>>) target(%dma_start3A_319 : memref<72x64xf32, #tpu.memory_space<vmem>>) offsets(%dma_start3A_321 : memref<72xi32, #tpu.memory_space<vmem>>) semaphore(%arg18 : memref<!tpu.dma_semaphore, #tpu.memory_space<semaphore_mem>>)
      } else {
      }
      %mul3A_130 = arith.constant 4 : i32
      %mul3A_131 = arith.muli %mul3A_130, %scan3A_78 : i32
      %add3A_132 = arith.constant 1 : i32
      %add3A_133 = arith.addi %mul3A_131, %add3A_132 : i32
      %dma_wait3A_134 = arith.constant 0 : i32
      %dma_wait3A_135 = arith.constant 0 : i32
      %dma_wait3A_136 = tpu.memref_slice %arg12[%dma_wait3A_134, %dma_wait3A_135] : memref<200x64xf32, #tpu.memory_space<vmem>> -> memref<128x64xf32, #tpu.memory_space<vmem>>
      %dma_wait3A_137 = arith.constant 0 : i32
      %dma_wait3A_138 = tpu.memref_slice %arg8[%dma_wait3A_137] : memref<256xi32, #tpu.memory_space<vmem>> -> memref<128xi32, #tpu.memory_space<vmem>>
      %dma_wait3A_139 = arith.constant 0 : i32
      %dma_wait3A_140 = arith.constant 0 : i32
      %dma_wait3A_141 = tpu.memref_slice %arg3[%dma_wait3A_139, %dma_wait3A_140] : memref<2000000x64xf32, #tpu.memory_space<hbm>> -> memref<2000000x64xf32, #tpu.memory_space<hbm>>
      tpu.wait_indirect_dma semaphore(%arg16 : memref<!tpu.dma_semaphore, #tpu.memory_space<semaphore_mem>>) src(%dma_wait3A_141 : memref<2000000x64xf32, #tpu.memory_space<hbm>>) dst(%dma_wait3A_136 : memref<128x64xf32, #tpu.memory_space<vmem>>)
      %dma_wait3A_142 = arith.constant 128 : i32
      %dma_wait3A_143 = arith.constant 0 : i32
      %dma_wait3A_144 = tpu.memref_slice %arg12[%dma_wait3A_142, %dma_wait3A_143] : memref<200x64xf32, #tpu.memory_space<vmem>> -> memref<72x64xf32, #tpu.memory_space<vmem>>
      %dma_wait3A_145 = arith.constant 128 : i32
      %dma_wait3A_146 = tpu.memref_slice %arg8[%dma_wait3A_145] : memref<256xi32, #tpu.memory_space<vmem>> -> memref<72xi32, #tpu.memory_space<vmem>>
      %dma_wait3A_147 = arith.constant 0 : i32
      %dma_wait3A_148 = arith.constant 0 : i32
      %dma_wait3A_149 = tpu.memref_slice %arg3[%dma_wait3A_147, %dma_wait3A_148] : memref<2000000x64xf32, #tpu.memory_space<hbm>> -> memref<2000000x64xf32, #tpu.memory_space<hbm>>
      tpu.wait_indirect_dma semaphore(%arg16 : memref<!tpu.dma_semaphore, #tpu.memory_space<semaphore_mem>>) src(%dma_wait3A_149 : memref<2000000x64xf32, #tpu.memory_space<hbm>>) dst(%dma_wait3A_144 : memref<72x64xf32, #tpu.memory_space<vmem>>)
      %add3A_150 = arith.constant 4 : i32
      %add3A_151 = arith.addi %add3A_133, %add3A_150 : i32
      %lt3A_152 = arith.constant 128 : i32
      %lt3A_153 = arith.cmpi slt, %add3A_151, %lt3A_152 : i32
      %convert_element_type3A_154 = arith.extui %lt3A_153 : i1 to i32
      %cond3A_155 = arith.constant 0 : i32
      %cond3A_156 = arith.cmpi ne, %convert_element_type3A_154, %cond3A_155 : i32
      scf.if %cond3A_156 {
        %add3A_298 = arith.constant 4 : i32
        %add3A_299 = arith.addi %add3A_133, %add3A_298 : i32
        %add3A_300 = arith.addi %mul3A_2, %add3A_299 : i32
        %dma_start3A_301 = arith.constant 0 : i32
        %dma_start3A_302 = tpu.memref_slice %arg2[%add3A_300, %dma_start3A_301] : memref<4096x256xi32, #tpu.memory_space<hbm>> -> memref<1x256xi32, #tpu.memory_space<hbm>>
        %dma_start3A_303 = tpu.memref_squeeze %dma_start3A_302 : memref<1x256xi32, #tpu.memory_space<hbm>> -> memref<256xi32, #tpu.memory_space<hbm>>
        %dma_start3A_304 = arith.constant 0 : i32
        %dma_start3A_305 = tpu.memref_slice %arg2[%add3A_300, %dma_start3A_304] : memref<4096x256xi32, #tpu.memory_space<hbm>> -> memref<1x256xi32, #tpu.memory_space<hbm>>
        %dma_start3A_306 = tpu.memref_squeeze %dma_start3A_305 : memref<1x256xi32, #tpu.memory_space<hbm>> -> memref<256xi32, #tpu.memory_space<hbm>>
        tpu.enqueue_dma source(%dma_start3A_306 : memref<256xi32, #tpu.memory_space<hbm>>) target(%arg8 : memref<256xi32, #tpu.memory_space<vmem>>) target_semaphore(%arg24 : memref<!tpu.dma_semaphore, #tpu.memory_space<semaphore_mem>>)
      } else {
      }
      %scan3A_157 = arith.constant 0 : i32
      %scan3A_158 = arith.constant 0 : i32
      %scan3A_159 = arith.constant 200 : i32
      %scan3A_160 = arith.addi %scan3A_158, %scan3A_159 : i32
      %scan3A_161 = arith.constant 4 : i32
      scf.for %scan3A_298 = %scan3A_158 to %scan3A_160 step %scan3A_161  : i32 {
        %get3A = arith.index_cast %scan3A_298 : i32 to index
        %get3A_299 = arith.constant 0 : index
        %get3A_300 = tpu.vector_load %arg6[%get3A, %get3A_299] {strides = array<i32>} : memref<200x64xf32, #tpu.memory_space<vmem>>, vector<1x16xf32>,
        %get3A_301 = vector.shape_cast %get3A_300 : vector<1x16xf32> to vector<16xf32>
        %swap3A = arith.index_cast %scan3A_298 : i32 to index
        %swap3A_302 = arith.constant 0 : index
        %swap3A_303 = tpu.vector_load %arg12[%swap3A, %swap3A_302] {strides = array<i32>} : memref<200x64xf32, #tpu.memory_space<vmem>>, vector<1x16xf32>,
        %swap3A_304 = vector.shape_cast %swap3A_303 : vector<1x16xf32> to vector<16xf32>
        %swap3A_305 = vector.shape_cast %get3A_301 : vector<16xf32> to vector<1x16xf32>
        tpu.vector_store %arg12[%swap3A, %swap3A_302], %swap3A_305 {add = true, strides = array<i32>} : memref<200x64xf32, #tpu.memory_space<vmem>>, vector<1x16xf32>,
        %get3A_306 = arith.index_cast %scan3A_298 : i32 to index
        %get3A_307 = arith.constant 16 : index
        %get3A_308 = tpu.vector_load %arg6[%get3A_306, %get3A_307] {strides = array<i32>} : memref<200x64xf32, #tpu.memory_space<vmem>>, vector<1x16xf32>,
        %get3A_309 = vector.shape_cast %get3A_308 : vector<1x16xf32> to vector<16xf32>
        %swap3A_310 = arith.index_cast %scan3A_298 : i32 to index
        %swap3A_311 = arith.constant 16 : index
        %swap3A_312 = tpu.vector_load %arg12[%swap3A_310, %swap3A_311] {strides = array<i32>} : memref<200x64xf32, #tpu.memory_space<vmem>>, vector<1x16xf32>,
        %swap3A_313 = vector.shape_cast %swap3A_312 : vector<1x16xf32> to vector<16xf32>
        %swap3A_314 = vector.shape_cast %get3A_309 : vector<16xf32> to vector<1x16xf32>
        tpu.vector_store %arg12[%swap3A_310, %swap3A_311], %swap3A_314 {add = true, strides = array<i32>} : memref<200x64xf32, #tpu.memory_space<vmem>>, vector<1x16xf32>,
        %get3A_315 = arith.index_cast %scan3A_298 : i32 to index
        %get3A_316 = arith.constant 32 : index
        %get3A_317 = tpu.vector_load %arg6[%get3A_315, %get3A_316] {strides = array<i32>} : memref<200x64xf32, #tpu.memory_space<vmem>>, vector<1x16xf32>,
        %get3A_318 = vector.shape_cast %get3A_317 : vector<1x16xf32> to vector<16xf32>
        %swap3A_319 = arith.index_cast %scan3A_298 : i32 to index
        %swap3A_320 = arith.constant 32 : index
        %swap3A_321 = tpu.vector_load %arg12[%swap3A_319, %swap3A_320] {strides = array<i32>} : memref<200x64xf32, #tpu.memory_space<vmem>>, vector<1x16xf32>,
        %swap3A_322 = vector.shape_cast %swap3A_321 : vector<1x16xf32> to vector<16xf32>
        %swap3A_323 = vector.shape_cast %get3A_318 : vector<16xf32> to vector<1x16xf32>
        tpu.vector_store %arg12[%swap3A_319, %swap3A_320], %swap3A_323 {add = true, strides = array<i32>} : memref<200x64xf32, #tpu.memory_space<vmem>>, vector<1x16xf32>,
        %get3A_324 = arith.index_cast %scan3A_298 : i32 to index
        %get3A_325 = arith.constant 48 : index
        %get3A_326 = tpu.vector_load %arg6[%get3A_324, %get3A_325] {strides = array<i32>} : memref<200x64xf32, #tpu.memory_space<vmem>>, vector<1x16xf32>,
        %get3A_327 = vector.shape_cast %get3A_326 : vector<1x16xf32> to vector<16xf32>
        %swap3A_328 = arith.index_cast %scan3A_298 : i32 to index
        %swap3A_329 = arith.constant 48 : index
        %swap3A_330 = tpu.vector_load %arg12[%swap3A_328, %swap3A_329] {strides = array<i32>} : memref<200x64xf32, #tpu.memory_space<vmem>>, vector<1x16xf32>,
        %swap3A_331 = vector.shape_cast %swap3A_330 : vector<1x16xf32> to vector<16xf32>
        %swap3A_332 = vector.shape_cast %get3A_327 : vector<16xf32> to vector<1x16xf32>
        tpu.vector_store %arg12[%swap3A_328, %swap3A_329], %swap3A_332 {add = true, strides = array<i32>} : memref<200x64xf32, #tpu.memory_space<vmem>>, vector<1x16xf32>,
        %scan3A_333 = arith.constant 1 : i32
        %scan3A_334 = arith.addi %scan3A_298, %scan3A_333 : i32
        %get3A_335 = arith.index_cast %scan3A_334 : i32 to index
        %get3A_336 = arith.constant 0 : index
        %get3A_337 = tpu.vector_load %arg6[%get3A_335, %get3A_336] {strides = array<i32>} : memref<200x64xf32, #tpu.memory_space<vmem>>, vector<1x16xf32>,
        %get3A_338 = vector.shape_cast %get3A_337 : vector<1x16xf32> to vector<16xf32>
        %swap3A_339 = arith.index_cast %scan3A_334 : i32 to index
        %swap3A_340 = arith.constant 0 : index
        %swap3A_341 = tpu.vector_load %arg12[%swap3A_339, %swap3A_340] {strides = array<i32>} : memref<200x64xf32, #tpu.memory_space<vmem>>, vector<1x16xf32>,
        %swap3A_342 = vector.shape_cast %swap3A_341 : vector<1x16xf32> to vector<16xf32>
        %swap3A_343 = vector.shape_cast %get3A_338 : vector<16xf32> to vector<1x16xf32>
        tpu.vector_store %arg12[%swap3A_339, %swap3A_340], %swap3A_343 {add = true, strides = array<i32>} : memref<200x64xf32, #tpu.memory_space<vmem>>, vector<1x16xf32>,
        %get3A_344 = arith.index_cast %scan3A_334 : i32 to index
        %get3A_345 = arith.constant 16 : index
        %get3A_346 = tpu.vector_load %arg6[%get3A_344, %get3A_345] {strides = array<i32>} : memref<200x64xf32, #tpu.memory_space<vmem>>, vector<1x16xf32>,
        %get3A_347 = vector.shape_cast %get3A_346 : vector<1x16xf32> to vector<16xf32>
        %swap3A_348 = arith.index_cast %scan3A_334 : i32 to index
        %swap3A_349 = arith.constant 16 : index
        %swap3A_350 = tpu.vector_load %arg12[%swap3A_348, %swap3A_349] {strides = array<i32>} : memref<200x64xf32, #tpu.memory_space<vmem>>, vector<1x16xf32>,
        %swap3A_351 = vector.shape_cast %swap3A_350 : vector<1x16xf32> to vector<16xf32>
        %swap3A_352 = vector.shape_cast %get3A_347 : vector<16xf32> to vector<1x16xf32>
        tpu.vector_store %arg12[%swap3A_348, %swap3A_349], %swap3A_352 {add = true, strides = array<i32>} : memref<200x64xf32, #tpu.memory_space<vmem>>, vector<1x16xf32>,
        %get3A_353 = arith.index_cast %scan3A_334 : i32 to index
        %get3A_354 = arith.constant 32 : index
        %get3A_355 = tpu.vector_load %arg6[%get3A_353, %get3A_354] {strides = array<i32>} : memref<200x64xf32, #tpu.memory_space<vmem>>, vector<1x16xf32>,
        %get3A_356 = vector.shape_cast %get3A_355 : vector<1x16xf32> to vector<16xf32>
        %swap3A_357 = arith.index_cast %scan3A_334 : i32 to index
        %swap3A_358 = arith.constant 32 : index
        %swap3A_359 = tpu.vector_load %arg12[%swap3A_357, %swap3A_358] {strides = array<i32>} : memref<200x64xf32, #tpu.memory_space<vmem>>, vector<1x16xf32>,
        %swap3A_360 = vector.shape_cast %swap3A_359 : vector<1x16xf32> to vector<16xf32>
        %swap3A_361 = vector.shape_cast %get3A_356 : vector<16xf32> to vector<1x16xf32>
        tpu.vector_store %arg12[%swap3A_357, %swap3A_358], %swap3A_361 {add = true, strides = array<i32>} : memref<200x64xf32, #tpu.memory_space<vmem>>, vector<1x16xf32>,
        %get3A_362 = arith.index_cast %scan3A_334 : i32 to index
        %get3A_363 = arith.constant 48 : index
        %get3A_364 = tpu.vector_load %arg6[%get3A_362, %get3A_363] {strides = array<i32>} : memref<200x64xf32, #tpu.memory_space<vmem>>, vector<1x16xf32>,
        %get3A_365 = vector.shape_cast %get3A_364 : vector<1x16xf32> to vector<16xf32>
        %swap3A_366 = arith.index_cast %scan3A_334 : i32 to index
        %swap3A_367 = arith.constant 48 : index
        %swap3A_368 = tpu.vector_load %arg12[%swap3A_366, %swap3A_367] {strides = array<i32>} : memref<200x64xf32, #tpu.memory_space<vmem>>, vector<1x16xf32>,
        %swap3A_369 = vector.shape_cast %swap3A_368 : vector<1x16xf32> to vector<16xf32>
        %swap3A_370 = vector.shape_cast %get3A_365 : vector<16xf32> to vector<1x16xf32>
        tpu.vector_store %arg12[%swap3A_366, %swap3A_367], %swap3A_370 {add = true, strides = array<i32>} : memref<200x64xf32, #tpu.memory_space<vmem>>, vector<1x16xf32>,
        %scan3A_371 = arith.constant 2 : i32
        %scan3A_372 = arith.addi %scan3A_298, %scan3A_371 : i32
        %get3A_373 = arith.index_cast %scan3A_372 : i32 to index
        %get3A_374 = arith.constant 0 : index
        %get3A_375 = tpu.vector_load %arg6[%get3A_373, %get3A_374] {strides = array<i32>} : memref<200x64xf32, #tpu.memory_space<vmem>>, vector<1x16xf32>,
        %get3A_376 = vector.shape_cast %get3A_375 : vector<1x16xf32> to vector<16xf32>
        %swap3A_377 = arith.index_cast %scan3A_372 : i32 to index
        %swap3A_378 = arith.constant 0 : index
        %swap3A_379 = tpu.vector_load %arg12[%swap3A_377, %swap3A_378] {strides = array<i32>} : memref<200x64xf32, #tpu.memory_space<vmem>>, vector<1x16xf32>,
        %swap3A_380 = vector.shape_cast %swap3A_379 : vector<1x16xf32> to vector<16xf32>
        %swap3A_381 = vector.shape_cast %get3A_376 : vector<16xf32> to vector<1x16xf32>
        tpu.vector_store %arg12[%swap3A_377, %swap3A_378], %swap3A_381 {add = true, strides = array<i32>} : memref<200x64xf32, #tpu.memory_space<vmem>>, vector<1x16xf32>,
        %get3A_382 = arith.index_cast %scan3A_372 : i32 to index
        %get3A_383 = arith.constant 16 : index
        %get3A_384 = tpu.vector_load %arg6[%get3A_382, %get3A_383] {strides = array<i32>} : memref<200x64xf32, #tpu.memory_space<vmem>>, vector<1x16xf32>,
        %get3A_385 = vector.shape_cast %get3A_384 : vector<1x16xf32> to vector<16xf32>
        %swap3A_386 = arith.index_cast %scan3A_372 : i32 to index
        %swap3A_387 = arith.constant 16 : index
        %swap3A_388 = tpu.vector_load %arg12[%swap3A_386, %swap3A_387] {strides = array<i32>} : memref<200x64xf32, #tpu.memory_space<vmem>>, vector<1x16xf32>,
        %swap3A_389 = vector.shape_cast %swap3A_388 : vector<1x16xf32> to vector<16xf32>
        %swap3A_390 = vector.shape_cast %get3A_385 : vector<16xf32> to vector<1x16xf32>
        tpu.vector_store %arg12[%swap3A_386, %swap3A_387], %swap3A_390 {add = true, strides = array<i32>} : memref<200x64xf32, #tpu.memory_space<vmem>>, vector<1x16xf32>,
        %get3A_391 = arith.index_cast %scan3A_372 : i32 to index
        %get3A_392 = arith.constant 32 : index
        %get3A_393 = tpu.vector_load %arg6[%get3A_391, %get3A_392] {strides = array<i32>} : memref<200x64xf32, #tpu.memory_space<vmem>>, vector<1x16xf32>,
        %get3A_394 = vector.shape_cast %get3A_393 : vector<1x16xf32> to vector<16xf32>
        %swap3A_395 = arith.index_cast %scan3A_372 : i32 to index
        %swap3A_396 = arith.constant 32 : index
        %swap3A_397 = tpu.vector_load %arg12[%swap3A_395, %swap3A_396] {strides = array<i32>} : memref<200x64xf32, #tpu.memory_space<vmem>>, vector<1x16xf32>,
        %swap3A_398 = vector.shape_cast %swap3A_397 : vector<1x16xf32> to vector<16xf32>
        %swap3A_399 = vector.shape_cast %get3A_394 : vector<16xf32> to vector<1x16xf32>
        tpu.vector_store %arg12[%swap3A_395, %swap3A_396], %swap3A_399 {add = true, strides = array<i32>} : memref<200x64xf32, #tpu.memory_space<vmem>>, vector<1x16xf32>,
        %get3A_400 = arith.index_cast %scan3A_372 : i32 to index
        %get3A_401 = arith.constant 48 : index
        %get3A_402 = tpu.vector_load %arg6[%get3A_400, %get3A_401] {strides = array<i32>} : memref<200x64xf32, #tpu.memory_space<vmem>>, vector<1x16xf32>,
        %get3A_403 = vector.shape_cast %get3A_402 : vector<1x16xf32> to vector<16xf32>
        %swap3A_404 = arith.index_cast %scan3A_372 : i32 to index
        %swap3A_405 = arith.constant 48 : index
        %swap3A_406 = tpu.vector_load %arg12[%swap3A_404, %swap3A_405] {strides = array<i32>} : memref<200x64xf32, #tpu.memory_space<vmem>>, vector<1x16xf32>,
        %swap3A_407 = vector.shape_cast %swap3A_406 : vector<1x16xf32> to vector<16xf32>
        %swap3A_408 = vector.shape_cast %get3A_403 : vector<16xf32> to vector<1x16xf32>
        tpu.vector_store %arg12[%swap3A_404, %swap3A_405], %swap3A_408 {add = true, strides = array<i32>} : memref<200x64xf32, #tpu.memory_space<vmem>>, vector<1x16xf32>,
        %scan3A_409 = arith.constant 3 : i32
        %scan3A_410 = arith.addi %scan3A_298, %scan3A_409 : i32
        %get3A_411 = arith.index_cast %scan3A_410 : i32 to index
        %get3A_412 = arith.constant 0 : index
        %get3A_413 = tpu.vector_load %arg6[%get3A_411, %get3A_412] {strides = array<i32>} : memref<200x64xf32, #tpu.memory_space<vmem>>, vector<1x16xf32>,
        %get3A_414 = vector.shape_cast %get3A_413 : vector<1x16xf32> to vector<16xf32>
        %swap3A_415 = arith.index_cast %scan3A_410 : i32 to index
        %swap3A_416 = arith.constant 0 : index
        %swap3A_417 = tpu.vector_load %arg12[%swap3A_415, %swap3A_416] {strides = array<i32>} : memref<200x64xf32, #tpu.memory_space<vmem>>, vector<1x16xf32>,
        %swap3A_418 = vector.shape_cast %swap3A_417 : vector<1x16xf32> to vector<16xf32>
        %swap3A_419 = vector.shape_cast %get3A_414 : vector<16xf32> to vector<1x16xf32>
        tpu.vector_store %arg12[%swap3A_415, %swap3A_416], %swap3A_419 {add = true, strides = array<i32>} : memref<200x64xf32, #tpu.memory_space<vmem>>, vector<1x16xf32>,
        %get3A_420 = arith.index_cast %scan3A_410 : i32 to index
        %get3A_421 = arith.constant 16 : index
        %get3A_422 = tpu.vector_load %arg6[%get3A_420, %get3A_421] {strides = array<i32>} : memref<200x64xf32, #tpu.memory_space<vmem>>, vector<1x16xf32>,
        %get3A_423 = vector.shape_cast %get3A_422 : vector<1x16xf32> to vector<16xf32>
        %swap3A_424 = arith.index_cast %scan3A_410 : i32 to index
        %swap3A_425 = arith.constant 16 : index
        %swap3A_426 = tpu.vector_load %arg12[%swap3A_424, %swap3A_425] {strides = array<i32>} : memref<200x64xf32, #tpu.memory_space<vmem>>, vector<1x16xf32>,
        %swap3A_427 = vector.shape_cast %swap3A_426 : vector<1x16xf32> to vector<16xf32>
        %swap3A_428 = vector.shape_cast %get3A_423 : vector<16xf32> to vector<1x16xf32>
        tpu.vector_store %arg12[%swap3A_424, %swap3A_425], %swap3A_428 {add = true, strides = array<i32>} : memref<200x64xf32, #tpu.memory_space<vmem>>, vector<1x16xf32>,
        %get3A_429 = arith.index_cast %scan3A_410 : i32 to index
        %get3A_430 = arith.constant 32 : index
        %get3A_431 = tpu.vector_load %arg6[%get3A_429, %get3A_430] {strides = array<i32>} : memref<200x64xf32, #tpu.memory_space<vmem>>, vector<1x16xf32>,
        %get3A_432 = vector.shape_cast %get3A_431 : vector<1x16xf32> to vector<16xf32>
        %swap3A_433 = arith.index_cast %scan3A_410 : i32 to index
        %swap3A_434 = arith.constant 32 : index
        %swap3A_435 = tpu.vector_load %arg12[%swap3A_433, %swap3A_434] {strides = array<i32>} : memref<200x64xf32, #tpu.memory_space<vmem>>, vector<1x16xf32>,
        %swap3A_436 = vector.shape_cast %swap3A_435 : vector<1x16xf32> to vector<16xf32>
        %swap3A_437 = vector.shape_cast %get3A_432 : vector<16xf32> to vector<1x16xf32>
        tpu.vector_store %arg12[%swap3A_433, %swap3A_434], %swap3A_437 {add = true, strides = array<i32>} : memref<200x64xf32, #tpu.memory_space<vmem>>, vector<1x16xf32>,
        %get3A_438 = arith.index_cast %scan3A_410 : i32 to index
        %get3A_439 = arith.constant 48 : index
        %get3A_440 = tpu.vector_load %arg6[%get3A_438, %get3A_439] {strides = array<i32>} : memref<200x64xf32, #tpu.memory_space<vmem>>, vector<1x16xf32>,
        %get3A_441 = vector.shape_cast %get3A_440 : vector<1x16xf32> to vector<16xf32>
        %swap3A_442 = arith.index_cast %scan3A_410 : i32 to index
        %swap3A_443 = arith.constant 48 : index
        %swap3A_444 = tpu.vector_load %arg12[%swap3A_442, %swap3A_443] {strides = array<i32>} : memref<200x64xf32, #tpu.memory_space<vmem>>, vector<1x16xf32>,
        %swap3A_445 = vector.shape_cast %swap3A_444 : vector<1x16xf32> to vector<16xf32>
        %swap3A_446 = vector.shape_cast %get3A_441 : vector<16xf32> to vector<1x16xf32>
        tpu.vector_store %arg12[%swap3A_442, %swap3A_443], %swap3A_446 {add = true, strides = array<i32>} : memref<200x64xf32, #tpu.memory_space<vmem>>, vector<1x16xf32>,
      }
      %scan3A_162 = arith.constant 200 : i32
      %add3A_163 = arith.addi %mul3A_2, %add3A_133 : i32
      %dma_start3A_164 = arith.constant 0 : i32
      %dma_start3A_165 = arith.constant 0 : i32
      %dma_start3A_166 = tpu.memref_slice %arg5[%add3A_163, %dma_start3A_164, %dma_start3A_165] : memref<4096x200x128xf32, #tpu.memory_space<hbm>> -> memref<1x200x64xf32, #tpu.memory_space<hbm>>
      %dma_start3A_167 = tpu.memref_squeeze %dma_start3A_166 : memref<1x200x64xf32, #tpu.memory_space<hbm>> -> memref<200x64xf32, #tpu.memory_space<hbm>>
      %dma_start3A_168 = arith.constant 0 : i32
      %dma_start3A_169 = arith.constant 0 : i32
      %dma_start3A_170 = tpu.memref_slice %arg5[%add3A_163, %dma_start3A_168, %dma_start3A_169] : memref<4096x200x128xf32, #tpu.memory_space<hbm>> -> memref<1x200x64xf32, #tpu.memory_space<hbm>>
      %dma_start3A_171 = tpu.memref_squeeze %dma_start3A_170 : memref<1x200x64xf32, #tpu.memory_space<hbm>> -> memref<200x64xf32, #tpu.memory_space<hbm>>
      tpu.enqueue_dma source(%arg12 : memref<200x64xf32, #tpu.memory_space<vmem>>) target(%dma_start3A_171 : memref<200x64xf32, #tpu.memory_space<hbm>>) target_semaphore(%arg20 : memref<!tpu.dma_semaphore, #tpu.memory_space<semaphore_mem>>)
      %ge3A_172 = arith.constant 1 : i32
      %ge3A_173 = arith.cmpi sge, %add3A_133, %ge3A_172 : i32
      %convert_element_type3A_174 = arith.extui %ge3A_173 : i1 to i32
      %cond3A_175 = arith.constant 0 : i32
      %cond3A_176 = arith.cmpi ne, %convert_element_type3A_174, %cond3A_175 : i32
      scf.if %cond3A_176 {
        %sub3A_298 = arith.constant 1 : i32
        %sub3A_299 = arith.subi %add3A_133, %sub3A_298 : i32
        %add3A_300 = arith.addi %mul3A_2, %sub3A_299 : i32
        %dma_wait3A_301 = arith.constant 0 : i32
        %dma_wait3A_302 = arith.constant 0 : i32
        %dma_wait3A_303 = tpu.memref_slice %arg5[%add3A_300, %dma_wait3A_301, %dma_wait3A_302] : memref<4096x200x128xf32, #tpu.memory_space<hbm>> -> memref<1x200x64xf32, #tpu.memory_space<hbm>>
        %dma_wait3A_304 = tpu.memref_squeeze %dma_wait3A_303 : memref<1x200x64xf32, #tpu.memory_space<hbm>> -> memref<200x64xf32, #tpu.memory_space<hbm>>
        %dma_wait3A_305 = arith.constant 0 : i32
        %dma_wait3A_306 = arith.constant 0 : i32
        %dma_wait3A_307 = tpu.memref_slice %arg5[%add3A_300, %dma_wait3A_305, %dma_wait3A_306] : memref<4096x200x128xf32, #tpu.memory_space<hbm>> -> memref<1x200x64xf32, #tpu.memory_space<hbm>>
        %dma_wait3A_308 = tpu.memref_squeeze %dma_wait3A_307 : memref<1x200x64xf32, #tpu.memory_space<hbm>> -> memref<200x64xf32, #tpu.memory_space<hbm>>
        tpu.wait_dma2 semaphore(%arg19 : memref<!tpu.dma_semaphore, #tpu.memory_space<semaphore_mem>>) src(%arg11 : memref<200x64xf32, #tpu.memory_space<vmem>>) dst(%dma_wait3A_308 : memref<200x64xf32, #tpu.memory_space<hbm>>)
      } else {
      }
      %add3A_177 = arith.constant 4 : i32
      %add3A_178 = arith.addi %add3A_133, %add3A_177 : i32
      %sub3A_179 = arith.constant 1 : i32
      %sub3A_180 = arith.subi %add3A_178, %sub3A_179 : i32
      %lt3A_181 = arith.constant 128 : i32
      %lt3A_182 = arith.cmpi slt, %sub3A_180, %lt3A_181 : i32
      %convert_element_type3A_183 = arith.extui %lt3A_182 : i1 to i32
      %cond3A_184 = arith.constant 0 : i32
      %cond3A_185 = arith.cmpi ne, %convert_element_type3A_183, %cond3A_184 : i32
      scf.if %cond3A_185 {
        %add3A_298 = arith.constant 4 : i32
        %add3A_299 = arith.addi %add3A_133, %add3A_298 : i32
        %sub3A_300 = arith.constant 1 : i32
        %sub3A_301 = arith.subi %add3A_299, %sub3A_300 : i32
        %add3A_302 = arith.addi %mul3A_2, %sub3A_301 : i32
        %dma_wait3A_303 = arith.constant 0 : i32
        %dma_wait3A_304 = tpu.memref_slice %arg2[%add3A_302, %dma_wait3A_303] : memref<4096x256xi32, #tpu.memory_space<hbm>> -> memref<1x256xi32, #tpu.memory_space<hbm>>
        %dma_wait3A_305 = tpu.memref_squeeze %dma_wait3A_304 : memref<1x256xi32, #tpu.memory_space<hbm>> -> memref<256xi32, #tpu.memory_space<hbm>>
        %dma_wait3A_306 = arith.constant 0 : i32
        %dma_wait3A_307 = tpu.memref_slice %arg2[%add3A_302, %dma_wait3A_306] : memref<4096x256xi32, #tpu.memory_space<hbm>> -> memref<1x256xi32, #tpu.memory_space<hbm>>
        %dma_wait3A_308 = tpu.memref_squeeze %dma_wait3A_307 : memref<1x256xi32, #tpu.memory_space<hbm>> -> memref<256xi32, #tpu.memory_space<hbm>>
        tpu.wait_dma2 semaphore(%arg23 : memref<!tpu.dma_semaphore, #tpu.memory_space<semaphore_mem>>) src(%dma_wait3A_308 : memref<256xi32, #tpu.memory_space<hbm>>) dst(%arg7 : memref<256xi32, #tpu.memory_space<vmem>>)
        %dma_start3A_309 = arith.constant 0 : i32
        %dma_start3A_310 = arith.constant 0 : i32
        %dma_start3A_311 = tpu.memref_slice %arg11[%dma_start3A_309, %dma_start3A_310] : memref<200x64xf32, #tpu.memory_space<vmem>> -> memref<128x64xf32, #tpu.memory_space<vmem>>
        %dma_start3A_312 = arith.constant 0 : i32
        %dma_start3A_313 = tpu.memref_slice %arg7[%dma_start3A_312] : memref<256xi32, #tpu.memory_space<vmem>> -> memref<128xi32, #tpu.memory_space<vmem>>
        %dma_start3A_314 = arith.constant 0 : i32
        %dma_start3A_315 = arith.constant 0 : i32
        %dma_start3A_316 = tpu.memref_slice %arg3[%dma_start3A_314, %dma_start3A_315] : memref<2000000x64xf32, #tpu.memory_space<hbm>> -> memref<2000000x64xf32, #tpu.memory_space<hbm>>
        tpu.enqueue_indirect_dma source(%dma_start3A_316 : memref<2000000x64xf32, #tpu.memory_space<hbm>>) target(%dma_start3A_311 : memref<128x64xf32, #tpu.memory_space<vmem>>) offsets(%dma_start3A_313 : memref<128xi32, #tpu.memory_space<vmem>>) semaphore(%arg15 : memref<!tpu.dma_semaphore, #tpu.memory_space<semaphore_mem>>)
        %dma_start3A_317 = arith.constant 128 : i32
        %dma_start3A_318 = arith.constant 0 : i32
        %dma_start3A_319 = tpu.memref_slice %arg11[%dma_start3A_317, %dma_start3A_318] : memref<200x64xf32, #tpu.memory_space<vmem>> -> memref<72x64xf32, #tpu.memory_space<vmem>>
        %dma_start3A_320 = arith.constant 128 : i32
        %dma_start3A_321 = tpu.memref_slice %arg7[%dma_start3A_320] : memref<256xi32, #tpu.memory_space<vmem>> -> memref<72xi32, #tpu.memory_space<vmem>>
        %dma_start3A_322 = arith.constant 0 : i32
        %dma_start3A_323 = arith.constant 0 : i32
        %dma_start3A_324 = tpu.memref_slice %arg3[%dma_start3A_322, %dma_start3A_323] : memref<2000000x64xf32, #tpu.memory_space<hbm>> -> memref<2000000x64xf32, #tpu.memory_space<hbm>>
        tpu.enqueue_indirect_dma source(%dma_start3A_324 : memref<2000000x64xf32, #tpu.memory_space<hbm>>) target(%dma_start3A_319 : memref<72x64xf32, #tpu.memory_space<vmem>>) offsets(%dma_start3A_321 : memref<72xi32, #tpu.memory_space<vmem>>) semaphore(%arg15 : memref<!tpu.dma_semaphore, #tpu.memory_space<semaphore_mem>>)
      } else {
      }
      %mul3A_186 = arith.constant 4 : i32
      %mul3A_187 = arith.muli %mul3A_186, %scan3A_78 : i32
      %add3A_188 = arith.constant 2 : i32
      %add3A_189 = arith.addi %mul3A_187, %add3A_188 : i32
      %dma_wait3A_190 = arith.constant 0 : i32
      %dma_wait3A_191 = arith.constant 0 : i32
      %dma_wait3A_192 = tpu.memref_slice %arg13[%dma_wait3A_190, %dma_wait3A_191] : memref<200x64xf32, #tpu.memory_space<vmem>> -> memref<128x64xf32, #tpu.memory_space<vmem>>
      %dma_wait3A_193 = arith.constant 0 : i32
      %dma_wait3A_194 = tpu.memref_slice %arg9[%dma_wait3A_193] : memref<256xi32, #tpu.memory_space<vmem>> -> memref<128xi32, #tpu.memory_space<vmem>>
      %dma_wait3A_195 = arith.constant 0 : i32
      %dma_wait3A_196 = arith.constant 0 : i32
      %dma_wait3A_197 = tpu.memref_slice %arg3[%dma_wait3A_195, %dma_wait3A_196] : memref<2000000x64xf32, #tpu.memory_space<hbm>> -> memref<2000000x64xf32, #tpu.memory_space<hbm>>
      tpu.wait_indirect_dma semaphore(%arg17 : memref<!tpu.dma_semaphore, #tpu.memory_space<semaphore_mem>>) src(%dma_wait3A_197 : memref<2000000x64xf32, #tpu.memory_space<hbm>>) dst(%dma_wait3A_192 : memref<128x64xf32, #tpu.memory_space<vmem>>)
      %dma_wait3A_198 = arith.constant 128 : i32
      %dma_wait3A_199 = arith.constant 0 : i32
      %dma_wait3A_200 = tpu.memref_slice %arg13[%dma_wait3A_198, %dma_wait3A_199] : memref<200x64xf32, #tpu.memory_space<vmem>> -> memref<72x64xf32, #tpu.memory_space<vmem>>
      %dma_wait3A_201 = arith.constant 128 : i32
      %dma_wait3A_202 = tpu.memref_slice %arg9[%dma_wait3A_201] : memref<256xi32, #tpu.memory_space<vmem>> -> memref<72xi32, #tpu.memory_space<vmem>>
      %dma_wait3A_203 = arith.constant 0 : i32
      %dma_wait3A_204 = arith.constant 0 : i32
      %dma_wait3A_205 = tpu.memref_slice %arg3[%dma_wait3A_203, %dma_wait3A_204] : memref<2000000x64xf32, #tpu.memory_space<hbm>> -> memref<2000000x64xf32, #tpu.memory_space<hbm>>
      tpu.wait_indirect_dma semaphore(%arg17 : memref<!tpu.dma_semaphore, #tpu.memory_space<semaphore_mem>>) src(%dma_wait3A_205 : memref<2000000x64xf32, #tpu.memory_space<hbm>>) dst(%dma_wait3A_200 : memref<72x64xf32, #tpu.memory_space<vmem>>)
      %add3A_206 = arith.constant 4 : i32
      %add3A_207 = arith.addi %add3A_189, %add3A_206 : i32
      %lt3A_208 = arith.constant 128 : i32
      %lt3A_209 = arith.cmpi slt, %add3A_207, %lt3A_208 : i32
      %convert_element_type3A_210 = arith.extui %lt3A_209 : i1 to i32
      %cond3A_211 = arith.constant 0 : i32
      %cond3A_212 = arith.cmpi ne, %convert_element_type3A_210, %cond3A_211 : i32
      scf.if %cond3A_212 {
        %add3A_298 = arith.constant 4 : i32
        %add3A_299 = arith.addi %add3A_189, %add3A_298 : i32
        %add3A_300 = arith.addi %mul3A_2, %add3A_299 : i32
        %dma_start3A_301 = arith.constant 0 : i32
        %dma_start3A_302 = tpu.memref_slice %arg2[%add3A_300, %dma_start3A_301] : memref<4096x256xi32, #tpu.memory_space<hbm>> -> memref<1x256xi32, #tpu.memory_space<hbm>>
        %dma_start3A_303 = tpu.memref_squeeze %dma_start3A_302 : memref<1x256xi32, #tpu.memory_space<hbm>> -> memref<256xi32, #tpu.memory_space<hbm>>
        %dma_start3A_304 = arith.constant 0 : i32
        %dma_start3A_305 = tpu.memref_slice %arg2[%add3A_300, %dma_start3A_304] : memref<4096x256xi32, #tpu.memory_space<hbm>> -> memref<1x256xi32, #tpu.memory_space<hbm>>
        %dma_start3A_306 = tpu.memref_squeeze %dma_start3A_305 : memref<1x256xi32, #tpu.memory_space<hbm>> -> memref<256xi32, #tpu.memory_space<hbm>>
        tpu.enqueue_dma source(%dma_start3A_306 : memref<256xi32, #tpu.memory_space<hbm>>) target(%arg9 : memref<256xi32, #tpu.memory_space<vmem>>) target_semaphore(%arg25 : memref<!tpu.dma_semaphore, #tpu.memory_space<semaphore_mem>>)
      } else {
      }
      %scan3A_213 = arith.constant 0 : i32
      %scan3A_214 = arith.constant 0 : i32
      %scan3A_215 = arith.constant 200 : i32
      %scan3A_216 = arith.addi %scan3A_214, %scan3A_215 : i32
      %scan3A_217 = arith.constant 4 : i32
      scf.for %scan3A_298 = %scan3A_214 to %scan3A_216 step %scan3A_217  : i32 {
        %get3A = arith.index_cast %scan3A_298 : i32 to index
        %get3A_299 = arith.constant 0 : index
        %get3A_300 = tpu.vector_load %arg6[%get3A, %get3A_299] {strides = array<i32>} : memref<200x64xf32, #tpu.memory_space<vmem>>, vector<1x16xf32>,
        %get3A_301 = vector.shape_cast %get3A_300 : vector<1x16xf32> to vector<16xf32>
        %swap3A = arith.index_cast %scan3A_298 : i32 to index
        %swap3A_302 = arith.constant 0 : index
        %swap3A_303 = tpu.vector_load %arg13[%swap3A, %swap3A_302] {strides = array<i32>} : memref<200x64xf32, #tpu.memory_space<vmem>>, vector<1x16xf32>,
        %swap3A_304 = vector.shape_cast %swap3A_303 : vector<1x16xf32> to vector<16xf32>
        %swap3A_305 = vector.shape_cast %get3A_301 : vector<16xf32> to vector<1x16xf32>
        tpu.vector_store %arg13[%swap3A, %swap3A_302], %swap3A_305 {add = true, strides = array<i32>} : memref<200x64xf32, #tpu.memory_space<vmem>>, vector<1x16xf32>,
        %get3A_306 = arith.index_cast %scan3A_298 : i32 to index
        %get3A_307 = arith.constant 16 : index
        %get3A_308 = tpu.vector_load %arg6[%get3A_306, %get3A_307] {strides = array<i32>} : memref<200x64xf32, #tpu.memory_space<vmem>>, vector<1x16xf32>,
        %get3A_309 = vector.shape_cast %get3A_308 : vector<1x16xf32> to vector<16xf32>
        %swap3A_310 = arith.index_cast %scan3A_298 : i32 to index
        %swap3A_311 = arith.constant 16 : index
        %swap3A_312 = tpu.vector_load %arg13[%swap3A_310, %swap3A_311] {strides = array<i32>} : memref<200x64xf32, #tpu.memory_space<vmem>>, vector<1x16xf32>,
        %swap3A_313 = vector.shape_cast %swap3A_312 : vector<1x16xf32> to vector<16xf32>
        %swap3A_314 = vector.shape_cast %get3A_309 : vector<16xf32> to vector<1x16xf32>
        tpu.vector_store %arg13[%swap3A_310, %swap3A_311], %swap3A_314 {add = true, strides = array<i32>} : memref<200x64xf32, #tpu.memory_space<vmem>>, vector<1x16xf32>,
        %get3A_315 = arith.index_cast %scan3A_298 : i32 to index
        %get3A_316 = arith.constant 32 : index
        %get3A_317 = tpu.vector_load %arg6[%get3A_315, %get3A_316] {strides = array<i32>} : memref<200x64xf32, #tpu.memory_space<vmem>>, vector<1x16xf32>,
        %get3A_318 = vector.shape_cast %get3A_317 : vector<1x16xf32> to vector<16xf32>
        %swap3A_319 = arith.index_cast %scan3A_298 : i32 to index
        %swap3A_320 = arith.constant 32 : index
        %swap3A_321 = tpu.vector_load %arg13[%swap3A_319, %swap3A_320] {strides = array<i32>} : memref<200x64xf32, #tpu.memory_space<vmem>>, vector<1x16xf32>,
        %swap3A_322 = vector.shape_cast %swap3A_321 : vector<1x16xf32> to vector<16xf32>
        %swap3A_323 = vector.shape_cast %get3A_318 : vector<16xf32> to vector<1x16xf32>
        tpu.vector_store %arg13[%swap3A_319, %swap3A_320], %swap3A_323 {add = true, strides = array<i32>} : memref<200x64xf32, #tpu.memory_space<vmem>>, vector<1x16xf32>,
        %get3A_324 = arith.index_cast %scan3A_298 : i32 to index
        %get3A_325 = arith.constant 48 : index
        %get3A_326 = tpu.vector_load %arg6[%get3A_324, %get3A_325] {strides = array<i32>} : memref<200x64xf32, #tpu.memory_space<vmem>>, vector<1x16xf32>,
        %get3A_327 = vector.shape_cast %get3A_326 : vector<1x16xf32> to vector<16xf32>
        %swap3A_328 = arith.index_cast %scan3A_298 : i32 to index
        %swap3A_329 = arith.constant 48 : index
        %swap3A_330 = tpu.vector_load %arg13[%swap3A_328, %swap3A_329] {strides = array<i32>} : memref<200x64xf32, #tpu.memory_space<vmem>>, vector<1x16xf32>,
        %swap3A_331 = vector.shape_cast %swap3A_330 : vector<1x16xf32> to vector<16xf32>
        %swap3A_332 = vector.shape_cast %get3A_327 : vector<16xf32> to vector<1x16xf32>
        tpu.vector_store %arg13[%swap3A_328, %swap3A_329], %swap3A_332 {add = true, strides = array<i32>} : memref<200x64xf32, #tpu.memory_space<vmem>>, vector<1x16xf32>,
        %scan3A_333 = arith.constant 1 : i32
        %scan3A_334 = arith.addi %scan3A_298, %scan3A_333 : i32
        %get3A_335 = arith.index_cast %scan3A_334 : i32 to index
        %get3A_336 = arith.constant 0 : index
        %get3A_337 = tpu.vector_load %arg6[%get3A_335, %get3A_336] {strides = array<i32>} : memref<200x64xf32, #tpu.memory_space<vmem>>, vector<1x16xf32>,
        %get3A_338 = vector.shape_cast %get3A_337 : vector<1x16xf32> to vector<16xf32>
        %swap3A_339 = arith.index_cast %scan3A_334 : i32 to index
        %swap3A_340 = arith.constant 0 : index
        %swap3A_341 = tpu.vector_load %arg13[%swap3A_339, %swap3A_340] {strides = array<i32>} : memref<200x64xf32, #tpu.memory_space<vmem>>, vector<1x16xf32>,
        %swap3A_342 = vector.shape_cast %swap3A_341 : vector<1x16xf32> to vector<16xf32>
        %swap3A_343 = vector.shape_cast %get3A_338 : vector<16xf32> to vector<1x16xf32>
        tpu.vector_store %arg13[%swap3A_339, %swap3A_340], %swap3A_343 {add = true, strides = array<i32>} : memref<200x64xf32, #tpu.memory_space<vmem>>, vector<1x16xf32>,
        %get3A_344 = arith.index_cast %scan3A_334 : i32 to index
        %get3A_345 = arith.constant 16 : index
        %get3A_346 = tpu.vector_load %arg6[%get3A_344, %get3A_345] {strides = array<i32>} : memref<200x64xf32, #tpu.memory_space<vmem>>, vector<1x16xf32>,
        %get3A_347 = vector.shape_cast %get3A_346 : vector<1x16xf32> to vector<16xf32>
        %swap3A_348 = arith.index_cast %scan3A_334 : i32 to index
        %swap3A_349 = arith.constant 16 : index
        %swap3A_350 = tpu.vector_load %arg13[%swap3A_348, %swap3A_349] {strides = array<i32>} : memref<200x64xf32, #tpu.memory_space<vmem>>, vector<1x16xf32>,
        %swap3A_351 = vector.shape_cast %swap3A_350 : vector<1x16xf32> to vector<16xf32>
        %swap3A_352 = vector.shape_cast %get3A_347 : vector<16xf32> to vector<1x16xf32>
        tpu.vector_store %arg13[%swap3A_348, %swap3A_349], %swap3A_352 {add = true, strides = array<i32>} : memref<200x64xf32, #tpu.memory_space<vmem>>, vector<1x16xf32>,
        %get3A_353 = arith.index_cast %scan3A_334 : i32 to index
        %get3A_354 = arith.constant 32 : index
        %get3A_355 = tpu.vector_load %arg6[%get3A_353, %get3A_354] {strides = array<i32>} : memref<200x64xf32, #tpu.memory_space<vmem>>, vector<1x16xf32>,
        %get3A_356 = vector.shape_cast %get3A_355 : vector<1x16xf32> to vector<16xf32>
        %swap3A_357 = arith.index_cast %scan3A_334 : i32 to index
        %swap3A_358 = arith.constant 32 : index
        %swap3A_359 = tpu.vector_load %arg13[%swap3A_357, %swap3A_358] {strides = array<i32>} : memref<200x64xf32, #tpu.memory_space<vmem>>, vector<1x16xf32>,
        %swap3A_360 = vector.shape_cast %swap3A_359 : vector<1x16xf32> to vector<16xf32>
        %swap3A_361 = vector.shape_cast %get3A_356 : vector<16xf32> to vector<1x16xf32>
        tpu.vector_store %arg13[%swap3A_357, %swap3A_358], %swap3A_361 {add = true, strides = array<i32>} : memref<200x64xf32, #tpu.memory_space<vmem>>, vector<1x16xf32>,
        %get3A_362 = arith.index_cast %scan3A_334 : i32 to index
        %get3A_363 = arith.constant 48 : index
        %get3A_364 = tpu.vector_load %arg6[%get3A_362, %get3A_363] {strides = array<i32>} : memref<200x64xf32, #tpu.memory_space<vmem>>, vector<1x16xf32>,
        %get3A_365 = vector.shape_cast %get3A_364 : vector<1x16xf32> to vector<16xf32>
        %swap3A_366 = arith.index_cast %scan3A_334 : i32 to index
        %swap3A_367 = arith.constant 48 : index
        %swap3A_368 = tpu.vector_load %arg13[%swap3A_366, %swap3A_367] {strides = array<i32>} : memref<200x64xf32, #tpu.memory_space<vmem>>, vector<1x16xf32>,
        %swap3A_369 = vector.shape_cast %swap3A_368 : vector<1x16xf32> to vector<16xf32>
        %swap3A_370 = vector.shape_cast %get3A_365 : vector<16xf32> to vector<1x16xf32>
        tpu.vector_store %arg13[%swap3A_366, %swap3A_367], %swap3A_370 {add = true, strides = array<i32>} : memref<200x64xf32, #tpu.memory_space<vmem>>, vector<1x16xf32>,
        %scan3A_371 = arith.constant 2 : i32
        %scan3A_372 = arith.addi %scan3A_298, %scan3A_371 : i32
        %get3A_373 = arith.index_cast %scan3A_372 : i32 to index
        %get3A_374 = arith.constant 0 : index
        %get3A_375 = tpu.vector_load %arg6[%get3A_373, %get3A_374] {strides = array<i32>} : memref<200x64xf32, #tpu.memory_space<vmem>>, vector<1x16xf32>,
        %get3A_376 = vector.shape_cast %get3A_375 : vector<1x16xf32> to vector<16xf32>
        %swap3A_377 = arith.index_cast %scan3A_372 : i32 to index
        %swap3A_378 = arith.constant 0 : index
        %swap3A_379 = tpu.vector_load %arg13[%swap3A_377, %swap3A_378] {strides = array<i32>} : memref<200x64xf32, #tpu.memory_space<vmem>>, vector<1x16xf32>,
        %swap3A_380 = vector.shape_cast %swap3A_379 : vector<1x16xf32> to vector<16xf32>
        %swap3A_381 = vector.shape_cast %get3A_376 : vector<16xf32> to vector<1x16xf32>
        tpu.vector_store %arg13[%swap3A_377, %swap3A_378], %swap3A_381 {add = true, strides = array<i32>} : memref<200x64xf32, #tpu.memory_space<vmem>>, vector<1x16xf32>,
        %get3A_382 = arith.index_cast %scan3A_372 : i32 to index
        %get3A_383 = arith.constant 16 : index
        %get3A_384 = tpu.vector_load %arg6[%get3A_382, %get3A_383] {strides = array<i32>} : memref<200x64xf32, #tpu.memory_space<vmem>>, vector<1x16xf32>,
        %get3A_385 = vector.shape_cast %get3A_384 : vector<1x16xf32> to vector<16xf32>
        %swap3A_386 = arith.index_cast %scan3A_372 : i32 to index
        %swap3A_387 = arith.constant 16 : index
        %swap3A_388 = tpu.vector_load %arg13[%swap3A_386, %swap3A_387] {strides = array<i32>} : memref<200x64xf32, #tpu.memory_space<vmem>>, vector<1x16xf32>,
        %swap3A_389 = vector.shape_cast %swap3A_388 : vector<1x16xf32> to vector<16xf32>
        %swap3A_390 = vector.shape_cast %get3A_385 : vector<16xf32> to vector<1x16xf32>
        tpu.vector_store %arg13[%swap3A_386, %swap3A_387], %swap3A_390 {add = true, strides = array<i32>} : memref<200x64xf32, #tpu.memory_space<vmem>>, vector<1x16xf32>,
        %get3A_391 = arith.index_cast %scan3A_372 : i32 to index
        %get3A_392 = arith.constant 32 : index
        %get3A_393 = tpu.vector_load %arg6[%get3A_391, %get3A_392] {strides = array<i32>} : memref<200x64xf32, #tpu.memory_space<vmem>>, vector<1x16xf32>,
        %get3A_394 = vector.shape_cast %get3A_393 : vector<1x16xf32> to vector<16xf32>
        %swap3A_395 = arith.index_cast %scan3A_372 : i32 to index
        %swap3A_396 = arith.constant 32 : index
        %swap3A_397 = tpu.vector_load %arg13[%swap3A_395, %swap3A_396] {strides = array<i32>} : memref<200x64xf32, #tpu.memory_space<vmem>>, vector<1x16xf32>,
        %swap3A_398 = vector.shape_cast %swap3A_397 : vector<1x16xf32> to vector<16xf32>
        %swap3A_399 = vector.shape_cast %get3A_394 : vector<16xf32> to vector<1x16xf32>
        tpu.vector_store %arg13[%swap3A_395, %swap3A_396], %swap3A_399 {add = true, strides = array<i32>} : memref<200x64xf32, #tpu.memory_space<vmem>>, vector<1x16xf32>,
        %get3A_400 = arith.index_cast %scan3A_372 : i32 to index
        %get3A_401 = arith.constant 48 : index
        %get3A_402 = tpu.vector_load %arg6[%get3A_400, %get3A_401] {strides = array<i32>} : memref<200x64xf32, #tpu.memory_space<vmem>>, vector<1x16xf32>,
        %get3A_403 = vector.shape_cast %get3A_402 : vector<1x16xf32> to vector<16xf32>
        %swap3A_404 = arith.index_cast %scan3A_372 : i32 to index
        %swap3A_405 = arith.constant 48 : index
        %swap3A_406 = tpu.vector_load %arg13[%swap3A_404, %swap3A_405] {strides = array<i32>} : memref<200x64xf32, #tpu.memory_space<vmem>>, vector<1x16xf32>,
        %swap3A_407 = vector.shape_cast %swap3A_406 : vector<1x16xf32> to vector<16xf32>
        %swap3A_408 = vector.shape_cast %get3A_403 : vector<16xf32> to vector<1x16xf32>
        tpu.vector_store %arg13[%swap3A_404, %swap3A_405], %swap3A_408 {add = true, strides = array<i32>} : memref<200x64xf32, #tpu.memory_space<vmem>>, vector<1x16xf32>,
        %scan3A_409 = arith.constant 3 : i32
        %scan3A_410 = arith.addi %scan3A_298, %scan3A_409 : i32
        %get3A_411 = arith.index_cast %scan3A_410 : i32 to index
        %get3A_412 = arith.constant 0 : index
        %get3A_413 = tpu.vector_load %arg6[%get3A_411, %get3A_412] {strides = array<i32>} : memref<200x64xf32, #tpu.memory_space<vmem>>, vector<1x16xf32>,
        %get3A_414 = vector.shape_cast %get3A_413 : vector<1x16xf32> to vector<16xf32>
        %swap3A_415 = arith.index_cast %scan3A_410 : i32 to index
        %swap3A_416 = arith.constant 0 : index
        %swap3A_417 = tpu.vector_load %arg13[%swap3A_415, %swap3A_416] {strides = array<i32>} : memref<200x64xf32, #tpu.memory_space<vmem>>, vector<1x16xf32>,
        %swap3A_418 = vector.shape_cast %swap3A_417 : vector<1x16xf32> to vector<16xf32>
        %swap3A_419 = vector.shape_cast %get3A_414 : vector<16xf32> to vector<1x16xf32>
        tpu.vector_store %arg13[%swap3A_415, %swap3A_416], %swap3A_419 {add = true, strides = array<i32>} : memref<200x64xf32, #tpu.memory_space<vmem>>, vector<1x16xf32>,
        %get3A_420 = arith.index_cast %scan3A_410 : i32 to index
        %get3A_421 = arith.constant 16 : index
        %get3A_422 = tpu.vector_load %arg6[%get3A_420, %get3A_421] {strides = array<i32>} : memref<200x64xf32, #tpu.memory_space<vmem>>, vector<1x16xf32>,
        %get3A_423 = vector.shape_cast %get3A_422 : vector<1x16xf32> to vector<16xf32>
        %swap3A_424 = arith.index_cast %scan3A_410 : i32 to index
        %swap3A_425 = arith.constant 16 : index
        %swap3A_426 = tpu.vector_load %arg13[%swap3A_424, %swap3A_425] {strides = array<i32>} : memref<200x64xf32, #tpu.memory_space<vmem>>, vector<1x16xf32>,
        %swap3A_427 = vector.shape_cast %swap3A_426 : vector<1x16xf32> to vector<16xf32>
        %swap3A_428 = vector.shape_cast %get3A_423 : vector<16xf32> to vector<1x16xf32>
        tpu.vector_store %arg13[%swap3A_424, %swap3A_425], %swap3A_428 {add = true, strides = array<i32>} : memref<200x64xf32, #tpu.memory_space<vmem>>, vector<1x16xf32>,
        %get3A_429 = arith.index_cast %scan3A_410 : i32 to index
        %get3A_430 = arith.constant 32 : index
        %get3A_431 = tpu.vector_load %arg6[%get3A_429, %get3A_430] {strides = array<i32>} : memref<200x64xf32, #tpu.memory_space<vmem>>, vector<1x16xf32>,
        %get3A_432 = vector.shape_cast %get3A_431 : vector<1x16xf32> to vector<16xf32>
        %swap3A_433 = arith.index_cast %scan3A_410 : i32 to index
        %swap3A_434 = arith.constant 32 : index
        %swap3A_435 = tpu.vector_load %arg13[%swap3A_433, %swap3A_434] {strides = array<i32>} : memref<200x64xf32, #tpu.memory_space<vmem>>, vector<1x16xf32>,
        %swap3A_436 = vector.shape_cast %swap3A_435 : vector<1x16xf32> to vector<16xf32>
        %swap3A_437 = vector.shape_cast %get3A_432 : vector<16xf32> to vector<1x16xf32>
        tpu.vector_store %arg13[%swap3A_433, %swap3A_434], %swap3A_437 {add = true, strides = array<i32>} : memref<200x64xf32, #tpu.memory_space<vmem>>, vector<1x16xf32>,
        %get3A_438 = arith.index_cast %scan3A_410 : i32 to index
        %get3A_439 = arith.constant 48 : index
        %get3A_440 = tpu.vector_load %arg6[%get3A_438, %get3A_439] {strides = array<i32>} : memref<200x64xf32, #tpu.memory_space<vmem>>, vector<1x16xf32>,
        %get3A_441 = vector.shape_cast %get3A_440 : vector<1x16xf32> to vector<16xf32>
        %swap3A_442 = arith.index_cast %scan3A_410 : i32 to index
        %swap3A_443 = arith.constant 48 : index
        %swap3A_444 = tpu.vector_load %arg13[%swap3A_442, %swap3A_443] {strides = array<i32>} : memref<200x64xf32, #tpu.memory_space<vmem>>, vector<1x16xf32>,
        %swap3A_445 = vector.shape_cast %swap3A_444 : vector<1x16xf32> to vector<16xf32>
        %swap3A_446 = vector.shape_cast %get3A_441 : vector<16xf32> to vector<1x16xf32>
        tpu.vector_store %arg13[%swap3A_442, %swap3A_443], %swap3A_446 {add = true, strides = array<i32>} : memref<200x64xf32, #tpu.memory_space<vmem>>, vector<1x16xf32>,
      }
      %scan3A_218 = arith.constant 200 : i32
      %add3A_219 = arith.addi %mul3A_2, %add3A_189 : i32
      %dma_start3A_220 = arith.constant 0 : i32
      %dma_start3A_221 = arith.constant 0 : i32
      %dma_start3A_222 = tpu.memref_slice %arg5[%add3A_219, %dma_start3A_220, %dma_start3A_221] : memref<4096x200x128xf32, #tpu.memory_space<hbm>> -> memref<1x200x64xf32, #tpu.memory_space<hbm>>
      %dma_start3A_223 = tpu.memref_squeeze %dma_start3A_222 : memref<1x200x64xf32, #tpu.memory_space<hbm>> -> memref<200x64xf32, #tpu.memory_space<hbm>>
      %dma_start3A_224 = arith.constant 0 : i32
      %dma_start3A_225 = arith.constant 0 : i32
      %dma_start3A_226 = tpu.memref_slice %arg5[%add3A_219, %dma_start3A_224, %dma_start3A_225] : memref<4096x200x128xf32, #tpu.memory_space<hbm>> -> memref<1x200x64xf32, #tpu.memory_space<hbm>>
      %dma_start3A_227 = tpu.memref_squeeze %dma_start3A_226 : memref<1x200x64xf32, #tpu.memory_space<hbm>> -> memref<200x64xf32, #tpu.memory_space<hbm>>
      tpu.enqueue_dma source(%arg13 : memref<200x64xf32, #tpu.memory_space<vmem>>) target(%dma_start3A_227 : memref<200x64xf32, #tpu.memory_space<hbm>>) target_semaphore(%arg21 : memref<!tpu.dma_semaphore, #tpu.memory_space<semaphore_mem>>)
      %ge3A_228 = arith.constant 1 : i32
      %ge3A_229 = arith.cmpi sge, %add3A_189, %ge3A_228 : i32
      %convert_element_type3A_230 = arith.extui %ge3A_229 : i1 to i32
      %cond3A_231 = arith.constant 0 : i32
      %cond3A_232 = arith.cmpi ne, %convert_element_type3A_230, %cond3A_231 : i32
      scf.if %cond3A_232 {
        %sub3A_298 = arith.constant 1 : i32
        %sub3A_299 = arith.subi %add3A_189, %sub3A_298 : i32
        %add3A_300 = arith.addi %mul3A_2, %sub3A_299 : i32
        %dma_wait3A_301 = arith.constant 0 : i32
        %dma_wait3A_302 = arith.constant 0 : i32
        %dma_wait3A_303 = tpu.memref_slice %arg5[%add3A_300, %dma_wait3A_301, %dma_wait3A_302] : memref<4096x200x128xf32, #tpu.memory_space<hbm>> -> memref<1x200x64xf32, #tpu.memory_space<hbm>>
        %dma_wait3A_304 = tpu.memref_squeeze %dma_wait3A_303 : memref<1x200x64xf32, #tpu.memory_space<hbm>> -> memref<200x64xf32, #tpu.memory_space<hbm>>
        %dma_wait3A_305 = arith.constant 0 : i32
        %dma_wait3A_306 = arith.constant 0 : i32
        %dma_wait3A_307 = tpu.memref_slice %arg5[%add3A_300, %dma_wait3A_305, %dma_wait3A_306] : memref<4096x200x128xf32, #tpu.memory_space<hbm>> -> memref<1x200x64xf32, #tpu.memory_space<hbm>>
        %dma_wait3A_308 = tpu.memref_squeeze %dma_wait3A_307 : memref<1x200x64xf32, #tpu.memory_space<hbm>> -> memref<200x64xf32, #tpu.memory_space<hbm>>
        tpu.wait_dma2 semaphore(%arg20 : memref<!tpu.dma_semaphore, #tpu.memory_space<semaphore_mem>>) src(%arg12 : memref<200x64xf32, #tpu.memory_space<vmem>>) dst(%dma_wait3A_308 : memref<200x64xf32, #tpu.memory_space<hbm>>)
      } else {
      }
      %add3A_233 = arith.constant 4 : i32
      %add3A_234 = arith.addi %add3A_189, %add3A_233 : i32
      %sub3A_235 = arith.constant 1 : i32
      %sub3A_236 = arith.subi %add3A_234, %sub3A_235 : i32
      %lt3A_237 = arith.constant 128 : i32
      %lt3A_238 = arith.cmpi slt, %sub3A_236, %lt3A_237 : i32
      %convert_element_type3A_239 = arith.extui %lt3A_238 : i1 to i32
      %cond3A_240 = arith.constant 0 : i32
      %cond3A_241 = arith.cmpi ne, %convert_element_type3A_239, %cond3A_240 : i32
      scf.if %cond3A_241 {
        %add3A_298 = arith.constant 4 : i32
        %add3A_299 = arith.addi %add3A_189, %add3A_298 : i32
        %sub3A_300 = arith.constant 1 : i32
        %sub3A_301 = arith.subi %add3A_299, %sub3A_300 : i32
        %add3A_302 = arith.addi %mul3A_2, %sub3A_301 : i32
        %dma_wait3A_303 = arith.constant 0 : i32
        %dma_wait3A_304 = tpu.memref_slice %arg2[%add3A_302, %dma_wait3A_303] : memref<4096x256xi32, #tpu.memory_space<hbm>> -> memref<1x256xi32, #tpu.memory_space<hbm>>
        %dma_wait3A_305 = tpu.memref_squeeze %dma_wait3A_304 : memref<1x256xi32, #tpu.memory_space<hbm>> -> memref<256xi32, #tpu.memory_space<hbm>>
        %dma_wait3A_306 = arith.constant 0 : i32
        %dma_wait3A_307 = tpu.memref_slice %arg2[%add3A_302, %dma_wait3A_306] : memref<4096x256xi32, #tpu.memory_space<hbm>> -> memref<1x256xi32, #tpu.memory_space<hbm>>
        %dma_wait3A_308 = tpu.memref_squeeze %dma_wait3A_307 : memref<1x256xi32, #tpu.memory_space<hbm>> -> memref<256xi32, #tpu.memory_space<hbm>>
        tpu.wait_dma2 semaphore(%arg24 : memref<!tpu.dma_semaphore, #tpu.memory_space<semaphore_mem>>) src(%dma_wait3A_308 : memref<256xi32, #tpu.memory_space<hbm>>) dst(%arg8 : memref<256xi32, #tpu.memory_space<vmem>>)
        %dma_start3A_309 = arith.constant 0 : i32
        %dma_start3A_310 = arith.constant 0 : i32
        %dma_start3A_311 = tpu.memref_slice %arg12[%dma_start3A_309, %dma_start3A_310] : memref<200x64xf32, #tpu.memory_space<vmem>> -> memref<128x64xf32, #tpu.memory_space<vmem>>
        %dma_start3A_312 = arith.constant 0 : i32
        %dma_start3A_313 = tpu.memref_slice %arg8[%dma_start3A_312] : memref<256xi32, #tpu.memory_space<vmem>> -> memref<128xi32, #tpu.memory_space<vmem>>
        %dma_start3A_314 = arith.constant 0 : i32
        %dma_start3A_315 = arith.constant 0 : i32
        %dma_start3A_316 = tpu.memref_slice %arg3[%dma_start3A_314, %dma_start3A_315] : memref<2000000x64xf32, #tpu.memory_space<hbm>> -> memref<2000000x64xf32, #tpu.memory_space<hbm>>
        tpu.enqueue_indirect_dma source(%dma_start3A_316 : memref<2000000x64xf32, #tpu.memory_space<hbm>>) target(%dma_start3A_311 : memref<128x64xf32, #tpu.memory_space<vmem>>) offsets(%dma_start3A_313 : memref<128xi32, #tpu.memory_space<vmem>>) semaphore(%arg16 : memref<!tpu.dma_semaphore, #tpu.memory_space<semaphore_mem>>)
        %dma_start3A_317 = arith.constant 128 : i32
        %dma_start3A_318 = arith.constant 0 : i32
        %dma_start3A_319 = tpu.memref_slice %arg12[%dma_start3A_317, %dma_start3A_318] : memref<200x64xf32, #tpu.memory_space<vmem>> -> memref<72x64xf32, #tpu.memory_space<vmem>>
        %dma_start3A_320 = arith.constant 128 : i32
        %dma_start3A_321 = tpu.memref_slice %arg8[%dma_start3A_320] : memref<256xi32, #tpu.memory_space<vmem>> -> memref<72xi32, #tpu.memory_space<vmem>>
        %dma_start3A_322 = arith.constant 0 : i32
        %dma_start3A_323 = arith.constant 0 : i32
        %dma_start3A_324 = tpu.memref_slice %arg3[%dma_start3A_322, %dma_start3A_323] : memref<2000000x64xf32, #tpu.memory_space<hbm>> -> memref<2000000x64xf32, #tpu.memory_space<hbm>>
        tpu.enqueue_indirect_dma source(%dma_start3A_324 : memref<2000000x64xf32, #tpu.memory_space<hbm>>) target(%dma_start3A_319 : memref<72x64xf32, #tpu.memory_space<vmem>>) offsets(%dma_start3A_321 : memref<72xi32, #tpu.memory_space<vmem>>) semaphore(%arg16 : memref<!tpu.dma_semaphore, #tpu.memory_space<semaphore_mem>>)
      } else {
      }
      %mul3A_242 = arith.constant 4 : i32
      %mul3A_243 = arith.muli %mul3A_242, %scan3A_78 : i32
      %add3A_244 = arith.constant 3 : i32
      %add3A_245 = arith.addi %mul3A_243, %add3A_244 : i32
      %dma_wait3A_246 = arith.constant 0 : i32
      %dma_wait3A_247 = arith.constant 0 : i32
      %dma_wait3A_248 = tpu.memref_slice %arg14[%dma_wait3A_246, %dma_wait3A_247] : memref<200x64xf32, #tpu.memory_space<vmem>> -> memref<128x64xf32, #tpu.memory_space<vmem>>
      %dma_wait3A_249 = arith.constant 0 : i32
      %dma_wait3A_250 = tpu.memref_slice %arg10[%dma_wait3A_249] : memref<256xi32, #tpu.memory_space<vmem>> -> memref<128xi32, #tpu.memory_space<vmem>>
      %dma_wait3A_251 = arith.constant 0 : i32
      %dma_wait3A_252 = arith.constant 0 : i32
      %dma_wait3A_253 = tpu.memref_slice %arg3[%dma_wait3A_251, %dma_wait3A_252] : memref<2000000x64xf32, #tpu.memory_space<hbm>> -> memref<2000000x64xf32, #tpu.memory_space<hbm>>
      tpu.wait_indirect_dma semaphore(%arg18 : memref<!tpu.dma_semaphore, #tpu.memory_space<semaphore_mem>>) src(%dma_wait3A_253 : memref<2000000x64xf32, #tpu.memory_space<hbm>>) dst(%dma_wait3A_248 : memref<128x64xf32, #tpu.memory_space<vmem>>)
      %dma_wait3A_254 = arith.constant 128 : i32
      %dma_wait3A_255 = arith.constant 0 : i32
      %dma_wait3A_256 = tpu.memref_slice %arg14[%dma_wait3A_254, %dma_wait3A_255] : memref<200x64xf32, #tpu.memory_space<vmem>> -> memref<72x64xf32, #tpu.memory_space<vmem>>
      %dma_wait3A_257 = arith.constant 128 : i32
      %dma_wait3A_258 = tpu.memref_slice %arg10[%dma_wait3A_257] : memref<256xi32, #tpu.memory_space<vmem>> -> memref<72xi32, #tpu.memory_space<vmem>>
      %dma_wait3A_259 = arith.constant 0 : i32
      %dma_wait3A_260 = arith.constant 0 : i32
      %dma_wait3A_261 = tpu.memref_slice %arg3[%dma_wait3A_259, %dma_wait3A_260] : memref<2000000x64xf32, #tpu.memory_space<hbm>> -> memref<2000000x64xf32, #tpu.memory_space<hbm>>
      tpu.wait_indirect_dma semaphore(%arg18 : memref<!tpu.dma_semaphore, #tpu.memory_space<semaphore_mem>>) src(%dma_wait3A_261 : memref<2000000x64xf32, #tpu.memory_space<hbm>>) dst(%dma_wait3A_256 : memref<72x64xf32, #tpu.memory_space<vmem>>)
      %add3A_262 = arith.constant 4 : i32
      %add3A_263 = arith.addi %add3A_245, %add3A_262 : i32
      %lt3A_264 = arith.constant 128 : i32
      %lt3A_265 = arith.cmpi slt, %add3A_263, %lt3A_264 : i32
      %convert_element_type3A_266 = arith.extui %lt3A_265 : i1 to i32
      %cond3A_267 = arith.constant 0 : i32
      %cond3A_268 = arith.cmpi ne, %convert_element_type3A_266, %cond3A_267 : i32
      scf.if %cond3A_268 {
        %add3A_298 = arith.constant 4 : i32
        %add3A_299 = arith.addi %add3A_245, %add3A_298 : i32
        %add3A_300 = arith.addi %mul3A_2, %add3A_299 : i32
        %dma_start3A_301 = arith.constant 0 : i32
        %dma_start3A_302 = tpu.memref_slice %arg2[%add3A_300, %dma_start3A_301] : memref<4096x256xi32, #tpu.memory_space<hbm>> -> memref<1x256xi32, #tpu.memory_space<hbm>>
        %dma_start3A_303 = tpu.memref_squeeze %dma_start3A_302 : memref<1x256xi32, #tpu.memory_space<hbm>> -> memref<256xi32, #tpu.memory_space<hbm>>
        %dma_start3A_304 = arith.constant 0 : i32
        %dma_start3A_305 = tpu.memref_slice %arg2[%add3A_300, %dma_start3A_304] : memref<4096x256xi32, #tpu.memory_space<hbm>> -> memref<1x256xi32, #tpu.memory_space<hbm>>
        %dma_start3A_306 = tpu.memref_squeeze %dma_start3A_305 : memref<1x256xi32, #tpu.memory_space<hbm>> -> memref<256xi32, #tpu.memory_space<hbm>>
        tpu.enqueue_dma source(%dma_start3A_306 : memref<256xi32, #tpu.memory_space<hbm>>) target(%arg10 : memref<256xi32, #tpu.memory_space<vmem>>) target_semaphore(%arg26 : memref<!tpu.dma_semaphore, #tpu.memory_space<semaphore_mem>>)
      } else {
      }
      %scan3A_269 = arith.constant 0 : i32
      %scan3A_270 = arith.constant 0 : i32
      %scan3A_271 = arith.constant 200 : i32
      %scan3A_272 = arith.addi %scan3A_270, %scan3A_271 : i32
      %scan3A_273 = arith.constant 4 : i32
      scf.for %scan3A_298 = %scan3A_270 to %scan3A_272 step %scan3A_273  : i32 {
        %get3A = arith.index_cast %scan3A_298 : i32 to index
        %get3A_299 = arith.constant 0 : index
        %get3A_300 = tpu.vector_load %arg6[%get3A, %get3A_299] {strides = array<i32>} : memref<200x64xf32, #tpu.memory_space<vmem>>, vector<1x16xf32>,
        %get3A_301 = vector.shape_cast %get3A_300 : vector<1x16xf32> to vector<16xf32>
        %swap3A = arith.index_cast %scan3A_298 : i32 to index
        %swap3A_302 = arith.constant 0 : index
        %swap3A_303 = tpu.vector_load %arg14[%swap3A, %swap3A_302] {strides = array<i32>} : memref<200x64xf32, #tpu.memory_space<vmem>>, vector<1x16xf32>,
        %swap3A_304 = vector.shape_cast %swap3A_303 : vector<1x16xf32> to vector<16xf32>
        %swap3A_305 = vector.shape_cast %get3A_301 : vector<16xf32> to vector<1x16xf32>
        tpu.vector_store %arg14[%swap3A, %swap3A_302], %swap3A_305 {add = true, strides = array<i32>} : memref<200x64xf32, #tpu.memory_space<vmem>>, vector<1x16xf32>,
        %get3A_306 = arith.index_cast %scan3A_298 : i32 to index
        %get3A_307 = arith.constant 16 : index
        %get3A_308 = tpu.vector_load %arg6[%get3A_306, %get3A_307] {strides = array<i32>} : memref<200x64xf32, #tpu.memory_space<vmem>>, vector<1x16xf32>,
        %get3A_309 = vector.shape_cast %get3A_308 : vector<1x16xf32> to vector<16xf32>
        %swap3A_310 = arith.index_cast %scan3A_298 : i32 to index
        %swap3A_311 = arith.constant 16 : index
        %swap3A_312 = tpu.vector_load %arg14[%swap3A_310, %swap3A_311] {strides = array<i32>} : memref<200x64xf32, #tpu.memory_space<vmem>>, vector<1x16xf32>,
        %swap3A_313 = vector.shape_cast %swap3A_312 : vector<1x16xf32> to vector<16xf32>
        %swap3A_314 = vector.shape_cast %get3A_309 : vector<16xf32> to vector<1x16xf32>
        tpu.vector_store %arg14[%swap3A_310, %swap3A_311], %swap3A_314 {add = true, strides = array<i32>} : memref<200x64xf32, #tpu.memory_space<vmem>>, vector<1x16xf32>,
        %get3A_315 = arith.index_cast %scan3A_298 : i32 to index
        %get3A_316 = arith.constant 32 : index
        %get3A_317 = tpu.vector_load %arg6[%get3A_315, %get3A_316] {strides = array<i32>} : memref<200x64xf32, #tpu.memory_space<vmem>>, vector<1x16xf32>,
        %get3A_318 = vector.shape_cast %get3A_317 : vector<1x16xf32> to vector<16xf32>
        %swap3A_319 = arith.index_cast %scan3A_298 : i32 to index
        %swap3A_320 = arith.constant 32 : index
        %swap3A_321 = tpu.vector_load %arg14[%swap3A_319, %swap3A_320] {strides = array<i32>} : memref<200x64xf32, #tpu.memory_space<vmem>>, vector<1x16xf32>,
        %swap3A_322 = vector.shape_cast %swap3A_321 : vector<1x16xf32> to vector<16xf32>
        %swap3A_323 = vector.shape_cast %get3A_318 : vector<16xf32> to vector<1x16xf32>
        tpu.vector_store %arg14[%swap3A_319, %swap3A_320], %swap3A_323 {add = true, strides = array<i32>} : memref<200x64xf32, #tpu.memory_space<vmem>>, vector<1x16xf32>,
        %get3A_324 = arith.index_cast %scan3A_298 : i32 to index
        %get3A_325 = arith.constant 48 : index
        %get3A_326 = tpu.vector_load %arg6[%get3A_324, %get3A_325] {strides = array<i32>} : memref<200x64xf32, #tpu.memory_space<vmem>>, vector<1x16xf32>,
        %get3A_327 = vector.shape_cast %get3A_326 : vector<1x16xf32> to vector<16xf32>
        %swap3A_328 = arith.index_cast %scan3A_298 : i32 to index
        %swap3A_329 = arith.constant 48 : index
        %swap3A_330 = tpu.vector_load %arg14[%swap3A_328, %swap3A_329] {strides = array<i32>} : memref<200x64xf32, #tpu.memory_space<vmem>>, vector<1x16xf32>,
        %swap3A_331 = vector.shape_cast %swap3A_330 : vector<1x16xf32> to vector<16xf32>
        %swap3A_332 = vector.shape_cast %get3A_327 : vector<16xf32> to vector<1x16xf32>
        tpu.vector_store %arg14[%swap3A_328, %swap3A_329], %swap3A_332 {add = true, strides = array<i32>} : memref<200x64xf32, #tpu.memory_space<vmem>>, vector<1x16xf32>,
        %scan3A_333 = arith.constant 1 : i32
        %scan3A_334 = arith.addi %scan3A_298, %scan3A_333 : i32
        %get3A_335 = arith.index_cast %scan3A_334 : i32 to index
        %get3A_336 = arith.constant 0 : index
        %get3A_337 = tpu.vector_load %arg6[%get3A_335, %get3A_336] {strides = array<i32>} : memref<200x64xf32, #tpu.memory_space<vmem>>, vector<1x16xf32>,
        %get3A_338 = vector.shape_cast %get3A_337 : vector<1x16xf32> to vector<16xf32>
        %swap3A_339 = arith.index_cast %scan3A_334 : i32 to index
        %swap3A_340 = arith.constant 0 : index
        %swap3A_341 = tpu.vector_load %arg14[%swap3A_339, %swap3A_340] {strides = array<i32>} : memref<200x64xf32, #tpu.memory_space<vmem>>, vector<1x16xf32>,
        %swap3A_342 = vector.shape_cast %swap3A_341 : vector<1x16xf32> to vector<16xf32>
        %swap3A_343 = vector.shape_cast %get3A_338 : vector<16xf32> to vector<1x16xf32>
        tpu.vector_store %arg14[%swap3A_339, %swap3A_340], %swap3A_343 {add = true, strides = array<i32>} : memref<200x64xf32, #tpu.memory_space<vmem>>, vector<1x16xf32>,
        %get3A_344 = arith.index_cast %scan3A_334 : i32 to index
        %get3A_345 = arith.constant 16 : index
        %get3A_346 = tpu.vector_load %arg6[%get3A_344, %get3A_345] {strides = array<i32>} : memref<200x64xf32, #tpu.memory_space<vmem>>, vector<1x16xf32>,
        %get3A_347 = vector.shape_cast %get3A_346 : vector<1x16xf32> to vector<16xf32>
        %swap3A_348 = arith.index_cast %scan3A_334 : i32 to index
        %swap3A_349 = arith.constant 16 : index
        %swap3A_350 = tpu.vector_load %arg14[%swap3A_348, %swap3A_349] {strides = array<i32>} : memref<200x64xf32, #tpu.memory_space<vmem>>, vector<1x16xf32>,
        %swap3A_351 = vector.shape_cast %swap3A_350 : vector<1x16xf32> to vector<16xf32>
        %swap3A_352 = vector.shape_cast %get3A_347 : vector<16xf32> to vector<1x16xf32>
        tpu.vector_store %arg14[%swap3A_348, %swap3A_349], %swap3A_352 {add = true, strides = array<i32>} : memref<200x64xf32, #tpu.memory_space<vmem>>, vector<1x16xf32>,
        %get3A_353 = arith.index_cast %scan3A_334 : i32 to index
        %get3A_354 = arith.constant 32 : index
        %get3A_355 = tpu.vector_load %arg6[%get3A_353, %get3A_354] {strides = array<i32>} : memref<200x64xf32, #tpu.memory_space<vmem>>, vector<1x16xf32>,
        %get3A_356 = vector.shape_cast %get3A_355 : vector<1x16xf32> to vector<16xf32>
        %swap3A_357 = arith.index_cast %scan3A_334 : i32 to index
        %swap3A_358 = arith.constant 32 : index
        %swap3A_359 = tpu.vector_load %arg14[%swap3A_357, %swap3A_358] {strides = array<i32>} : memref<200x64xf32, #tpu.memory_space<vmem>>, vector<1x16xf32>,
        %swap3A_360 = vector.shape_cast %swap3A_359 : vector<1x16xf32> to vector<16xf32>
        %swap3A_361 = vector.shape_cast %get3A_356 : vector<16xf32> to vector<1x16xf32>
        tpu.vector_store %arg14[%swap3A_357, %swap3A_358], %swap3A_361 {add = true, strides = array<i32>} : memref<200x64xf32, #tpu.memory_space<vmem>>, vector<1x16xf32>,
        %get3A_362 = arith.index_cast %scan3A_334 : i32 to index
        %get3A_363 = arith.constant 48 : index
        %get3A_364 = tpu.vector_load %arg6[%get3A_362, %get3A_363] {strides = array<i32>} : memref<200x64xf32, #tpu.memory_space<vmem>>, vector<1x16xf32>,
        %get3A_365 = vector.shape_cast %get3A_364 : vector<1x16xf32> to vector<16xf32>
        %swap3A_366 = arith.index_cast %scan3A_334 : i32 to index
        %swap3A_367 = arith.constant 48 : index
        %swap3A_368 = tpu.vector_load %arg14[%swap3A_366, %swap3A_367] {strides = array<i32>} : memref<200x64xf32, #tpu.memory_space<vmem>>, vector<1x16xf32>,
        %swap3A_369 = vector.shape_cast %swap3A_368 : vector<1x16xf32> to vector<16xf32>
        %swap3A_370 = vector.shape_cast %get3A_365 : vector<16xf32> to vector<1x16xf32>
        tpu.vector_store %arg14[%swap3A_366, %swap3A_367], %swap3A_370 {add = true, strides = array<i32>} : memref<200x64xf32, #tpu.memory_space<vmem>>, vector<1x16xf32>,
        %scan3A_371 = arith.constant 2 : i32
        %scan3A_372 = arith.addi %scan3A_298, %scan3A_371 : i32
        %get3A_373 = arith.index_cast %scan3A_372 : i32 to index
        %get3A_374 = arith.constant 0 : index
        %get3A_375 = tpu.vector_load %arg6[%get3A_373, %get3A_374] {strides = array<i32>} : memref<200x64xf32, #tpu.memory_space<vmem>>, vector<1x16xf32>,
        %get3A_376 = vector.shape_cast %get3A_375 : vector<1x16xf32> to vector<16xf32>
        %swap3A_377 = arith.index_cast %scan3A_372 : i32 to index
        %swap3A_378 = arith.constant 0 : index
        %swap3A_379 = tpu.vector_load %arg14[%swap3A_377, %swap3A_378] {strides = array<i32>} : memref<200x64xf32, #tpu.memory_space<vmem>>, vector<1x16xf32>,
        %swap3A_380 = vector.shape_cast %swap3A_379 : vector<1x16xf32> to vector<16xf32>
        %swap3A_381 = vector.shape_cast %get3A_376 : vector<16xf32> to vector<1x16xf32>
        tpu.vector_store %arg14[%swap3A_377, %swap3A_378], %swap3A_381 {add = true, strides = array<i32>} : memref<200x64xf32, #tpu.memory_space<vmem>>, vector<1x16xf32>,
        %get3A_382 = arith.index_cast %scan3A_372 : i32 to index
        %get3A_383 = arith.constant 16 : index
        %get3A_384 = tpu.vector_load %arg6[%get3A_382, %get3A_383] {strides = array<i32>} : memref<200x64xf32, #tpu.memory_space<vmem>>, vector<1x16xf32>,
        %get3A_385 = vector.shape_cast %get3A_384 : vector<1x16xf32> to vector<16xf32>
        %swap3A_386 = arith.index_cast %scan3A_372 : i32 to index
        %swap3A_387 = arith.constant 16 : index
        %swap3A_388 = tpu.vector_load %arg14[%swap3A_386, %swap3A_387] {strides = array<i32>} : memref<200x64xf32, #tpu.memory_space<vmem>>, vector<1x16xf32>,
        %swap3A_389 = vector.shape_cast %swap3A_388 : vector<1x16xf32> to vector<16xf32>
        %swap3A_390 = vector.shape_cast %get3A_385 : vector<16xf32> to vector<1x16xf32>
        tpu.vector_store %arg14[%swap3A_386, %swap3A_387], %swap3A_390 {add = true, strides = array<i32>} : memref<200x64xf32, #tpu.memory_space<vmem>>, vector<1x16xf32>,
        %get3A_391 = arith.index_cast %scan3A_372 : i32 to index
        %get3A_392 = arith.constant 32 : index
        %get3A_393 = tpu.vector_load %arg6[%get3A_391, %get3A_392] {strides = array<i32>} : memref<200x64xf32, #tpu.memory_space<vmem>>, vector<1x16xf32>,
        %get3A_394 = vector.shape_cast %get3A_393 : vector<1x16xf32> to vector<16xf32>
        %swap3A_395 = arith.index_cast %scan3A_372 : i32 to index
        %swap3A_396 = arith.constant 32 : index
        %swap3A_397 = tpu.vector_load %arg14[%swap3A_395, %swap3A_396] {strides = array<i32>} : memref<200x64xf32, #tpu.memory_space<vmem>>, vector<1x16xf32>,
        %swap3A_398 = vector.shape_cast %swap3A_397 : vector<1x16xf32> to vector<16xf32>
        %swap3A_399 = vector.shape_cast %get3A_394 : vector<16xf32> to vector<1x16xf32>
        tpu.vector_store %arg14[%swap3A_395, %swap3A_396], %swap3A_399 {add = true, strides = array<i32>} : memref<200x64xf32, #tpu.memory_space<vmem>>, vector<1x16xf32>,
        %get3A_400 = arith.index_cast %scan3A_372 : i32 to index
        %get3A_401 = arith.constant 48 : index
        %get3A_402 = tpu.vector_load %arg6[%get3A_400, %get3A_401] {strides = array<i32>} : memref<200x64xf32, #tpu.memory_space<vmem>>, vector<1x16xf32>,
        %get3A_403 = vector.shape_cast %get3A_402 : vector<1x16xf32> to vector<16xf32>
        %swap3A_404 = arith.index_cast %scan3A_372 : i32 to index
        %swap3A_405 = arith.constant 48 : index
        %swap3A_406 = tpu.vector_load %arg14[%swap3A_404, %swap3A_405] {strides = array<i32>} : memref<200x64xf32, #tpu.memory_space<vmem>>, vector<1x16xf32>,
        %swap3A_407 = vector.shape_cast %swap3A_406 : vector<1x16xf32> to vector<16xf32>
        %swap3A_408 = vector.shape_cast %get3A_403 : vector<16xf32> to vector<1x16xf32>
        tpu.vector_store %arg14[%swap3A_404, %swap3A_405], %swap3A_408 {add = true, strides = array<i32>} : memref<200x64xf32, #tpu.memory_space<vmem>>, vector<1x16xf32>,
        %scan3A_409 = arith.constant 3 : i32
        %scan3A_410 = arith.addi %scan3A_298, %scan3A_409 : i32
        %get3A_411 = arith.index_cast %scan3A_410 : i32 to index
        %get3A_412 = arith.constant 0 : index
        %get3A_413 = tpu.vector_load %arg6[%get3A_411, %get3A_412] {strides = array<i32>} : memref<200x64xf32, #tpu.memory_space<vmem>>, vector<1x16xf32>,
        %get3A_414 = vector.shape_cast %get3A_413 : vector<1x16xf32> to vector<16xf32>
        %swap3A_415 = arith.index_cast %scan3A_410 : i32 to index
        %swap3A_416 = arith.constant 0 : index
        %swap3A_417 = tpu.vector_load %arg14[%swap3A_415, %swap3A_416] {strides = array<i32>} : memref<200x64xf32, #tpu.memory_space<vmem>>, vector<1x16xf32>,
        %swap3A_418 = vector.shape_cast %swap3A_417 : vector<1x16xf32> to vector<16xf32>
        %swap3A_419 = vector.shape_cast %get3A_414 : vector<16xf32> to vector<1x16xf32>
        tpu.vector_store %arg14[%swap3A_415, %swap3A_416], %swap3A_419 {add = true, strides = array<i32>} : memref<200x64xf32, #tpu.memory_space<vmem>>, vector<1x16xf32>,
        %get3A_420 = arith.index_cast %scan3A_410 : i32 to index
        %get3A_421 = arith.constant 16 : index
        %get3A_422 = tpu.vector_load %arg6[%get3A_420, %get3A_421] {strides = array<i32>} : memref<200x64xf32, #tpu.memory_space<vmem>>, vector<1x16xf32>,
        %get3A_423 = vector.shape_cast %get3A_422 : vector<1x16xf32> to vector<16xf32>
        %swap3A_424 = arith.index_cast %scan3A_410 : i32 to index
        %swap3A_425 = arith.constant 16 : index
        %swap3A_426 = tpu.vector_load %arg14[%swap3A_424, %swap3A_425] {strides = array<i32>} : memref<200x64xf32, #tpu.memory_space<vmem>>, vector<1x16xf32>,
        %swap3A_427 = vector.shape_cast %swap3A_426 : vector<1x16xf32> to vector<16xf32>
        %swap3A_428 = vector.shape_cast %get3A_423 : vector<16xf32> to vector<1x16xf32>
        tpu.vector_store %arg14[%swap3A_424, %swap3A_425], %swap3A_428 {add = true, strides = array<i32>} : memref<200x64xf32, #tpu.memory_space<vmem>>, vector<1x16xf32>,
        %get3A_429 = arith.index_cast %scan3A_410 : i32 to index
        %get3A_430 = arith.constant 32 : index
        %get3A_431 = tpu.vector_load %arg6[%get3A_429, %get3A_430] {strides = array<i32>} : memref<200x64xf32, #tpu.memory_space<vmem>>, vector<1x16xf32>,
        %get3A_432 = vector.shape_cast %get3A_431 : vector<1x16xf32> to vector<16xf32>
        %swap3A_433 = arith.index_cast %scan3A_410 : i32 to index
        %swap3A_434 = arith.constant 32 : index
        %swap3A_435 = tpu.vector_load %arg14[%swap3A_433, %swap3A_434] {strides = array<i32>} : memref<200x64xf32, #tpu.memory_space<vmem>>, vector<1x16xf32>,
        %swap3A_436 = vector.shape_cast %swap3A_435 : vector<1x16xf32> to vector<16xf32>
        %swap3A_437 = vector.shape_cast %get3A_432 : vector<16xf32> to vector<1x16xf32>
        tpu.vector_store %arg14[%swap3A_433, %swap3A_434], %swap3A_437 {add = true, strides = array<i32>} : memref<200x64xf32, #tpu.memory_space<vmem>>, vector<1x16xf32>,
        %get3A_438 = arith.index_cast %scan3A_410 : i32 to index
        %get3A_439 = arith.constant 48 : index
        %get3A_440 = tpu.vector_load %arg6[%get3A_438, %get3A_439] {strides = array<i32>} : memref<200x64xf32, #tpu.memory_space<vmem>>, vector<1x16xf32>,
        %get3A_441 = vector.shape_cast %get3A_440 : vector<1x16xf32> to vector<16xf32>
        %swap3A_442 = arith.index_cast %scan3A_410 : i32 to index
        %swap3A_443 = arith.constant 48 : index
        %swap3A_444 = tpu.vector_load %arg14[%swap3A_442, %swap3A_443] {strides = array<i32>} : memref<200x64xf32, #tpu.memory_space<vmem>>, vector<1x16xf32>,
        %swap3A_445 = vector.shape_cast %swap3A_444 : vector<1x16xf32> to vector<16xf32>
        %swap3A_446 = vector.shape_cast %get3A_441 : vector<16xf32> to vector<1x16xf32>
        tpu.vector_store %arg14[%swap3A_442, %swap3A_443], %swap3A_446 {add = true, strides = array<i32>} : memref<200x64xf32, #tpu.memory_space<vmem>>, vector<1x16xf32>,
      }
      %scan3A_274 = arith.constant 200 : i32
      %add3A_275 = arith.addi %mul3A_2, %add3A_245 : i32
      %dma_start3A_276 = arith.constant 0 : i32
      %dma_start3A_277 = arith.constant 0 : i32
      %dma_start3A_278 = tpu.memref_slice %arg5[%add3A_275, %dma_start3A_276, %dma_start3A_277] : memref<4096x200x128xf32, #tpu.memory_space<hbm>> -> memref<1x200x64xf32, #tpu.memory_space<hbm>>
      %dma_start3A_279 = tpu.memref_squeeze %dma_start3A_278 : memref<1x200x64xf32, #tpu.memory_space<hbm>> -> memref<200x64xf32, #tpu.memory_space<hbm>>
      %dma_start3A_280 = arith.constant 0 : i32
      %dma_start3A_281 = arith.constant 0 : i32
      %dma_start3A_282 = tpu.memref_slice %arg5[%add3A_275, %dma_start3A_280, %dma_start3A_281] : memref<4096x200x128xf32, #tpu.memory_space<hbm>> -> memref<1x200x64xf32, #tpu.memory_space<hbm>>
      %dma_start3A_283 = tpu.memref_squeeze %dma_start3A_282 : memref<1x200x64xf32, #tpu.memory_space<hbm>> -> memref<200x64xf32, #tpu.memory_space<hbm>>
      tpu.enqueue_dma source(%arg14 : memref<200x64xf32, #tpu.memory_space<vmem>>) target(%dma_start3A_283 : memref<200x64xf32, #tpu.memory_space<hbm>>) target_semaphore(%arg22 : memref<!tpu.dma_semaphore, #tpu.memory_space<semaphore_mem>>)
      %ge3A_284 = arith.constant 1 : i32
      %ge3A_285 = arith.cmpi sge, %add3A_245, %ge3A_284 : i32
      %convert_element_type3A_286 = arith.extui %ge3A_285 : i1 to i32
      %cond3A_287 = arith.constant 0 : i32
      %cond3A_288 = arith.cmpi ne, %convert_element_type3A_286, %cond3A_287 : i32
      scf.if %cond3A_288 {
        %sub3A_298 = arith.constant 1 : i32
        %sub3A_299 = arith.subi %add3A_245, %sub3A_298 : i32
        %add3A_300 = arith.addi %mul3A_2, %sub3A_299 : i32
        %dma_wait3A_301 = arith.constant 0 : i32
        %dma_wait3A_302 = arith.constant 0 : i32
        %dma_wait3A_303 = tpu.memref_slice %arg5[%add3A_300, %dma_wait3A_301, %dma_wait3A_302] : memref<4096x200x128xf32, #tpu.memory_space<hbm>> -> memref<1x200x64xf32, #tpu.memory_space<hbm>>
        %dma_wait3A_304 = tpu.memref_squeeze %dma_wait3A_303 : memref<1x200x64xf32, #tpu.memory_space<hbm>> -> memref<200x64xf32, #tpu.memory_space<hbm>>
        %dma_wait3A_305 = arith.constant 0 : i32
        %dma_wait3A_306 = arith.constant 0 : i32
        %dma_wait3A_307 = tpu.memref_slice %arg5[%add3A_300, %dma_wait3A_305, %dma_wait3A_306] : memref<4096x200x128xf32, #tpu.memory_space<hbm>> -> memref<1x200x64xf32, #tpu.memory_space<hbm>>
        %dma_wait3A_308 = tpu.memref_squeeze %dma_wait3A_307 : memref<1x200x64xf32, #tpu.memory_space<hbm>> -> memref<200x64xf32, #tpu.memory_space<hbm>>
        tpu.wait_dma2 semaphore(%arg21 : memref<!tpu.dma_semaphore, #tpu.memory_space<semaphore_mem>>) src(%arg13 : memref<200x64xf32, #tpu.memory_space<vmem>>) dst(%dma_wait3A_308 : memref<200x64xf32, #tpu.memory_space<hbm>>)
      } else {
      }
      %add3A_289 = arith.constant 4 : i32
      %add3A_290 = arith.addi %add3A_245, %add3A_289 : i32
      %sub3A_291 = arith.constant 1 : i32
      %sub3A_292 = arith.subi %add3A_290, %sub3A_291 : i32
      %lt3A_293 = arith.constant 128 : i32
      %lt3A_294 = arith.cmpi slt, %sub3A_292, %lt3A_293 : i32
      %convert_element_type3A_295 = arith.extui %lt3A_294 : i1 to i32
      %cond3A_296 = arith.constant 0 : i32
      %cond3A_297 = arith.cmpi ne, %convert_element_type3A_295, %cond3A_296 : i32
      scf.if %cond3A_297 {
        %add3A_298 = arith.constant 4 : i32
        %add3A_299 = arith.addi %add3A_245, %add3A_298 : i32
        %sub3A_300 = arith.constant 1 : i32
        %sub3A_301 = arith.subi %add3A_299, %sub3A_300 : i32
        %add3A_302 = arith.addi %mul3A_2, %sub3A_301 : i32
        %dma_wait3A_303 = arith.constant 0 : i32
        %dma_wait3A_304 = tpu.memref_slice %arg2[%add3A_302, %dma_wait3A_303] : memref<4096x256xi32, #tpu.memory_space<hbm>> -> memref<1x256xi32, #tpu.memory_space<hbm>>
        %dma_wait3A_305 = tpu.memref_squeeze %dma_wait3A_304 : memref<1x256xi32, #tpu.memory_space<hbm>> -> memref<256xi32, #tpu.memory_space<hbm>>
        %dma_wait3A_306 = arith.constant 0 : i32
        %dma_wait3A_307 = tpu.memref_slice %arg2[%add3A_302, %dma_wait3A_306] : memref<4096x256xi32, #tpu.memory_space<hbm>> -> memref<1x256xi32, #tpu.memory_space<hbm>>
        %dma_wait3A_308 = tpu.memref_squeeze %dma_wait3A_307 : memref<1x256xi32, #tpu.memory_space<hbm>> -> memref<256xi32, #tpu.memory_space<hbm>>
        tpu.wait_dma2 semaphore(%arg25 : memref<!tpu.dma_semaphore, #tpu.memory_space<semaphore_mem>>) src(%dma_wait3A_308 : memref<256xi32, #tpu.memory_space<hbm>>) dst(%arg9 : memref<256xi32, #tpu.memory_space<vmem>>)
        %dma_start3A_309 = arith.constant 0 : i32
        %dma_start3A_310 = arith.constant 0 : i32
        %dma_start3A_311 = tpu.memref_slice %arg13[%dma_start3A_309, %dma_start3A_310] : memref<200x64xf32, #tpu.memory_space<vmem>> -> memref<128x64xf32, #tpu.memory_space<vmem>>
        %dma_start3A_312 = arith.constant 0 : i32
        %dma_start3A_313 = tpu.memref_slice %arg9[%dma_start3A_312] : memref<256xi32, #tpu.memory_space<vmem>> -> memref<128xi32, #tpu.memory_space<vmem>>
        %dma_start3A_314 = arith.constant 0 : i32
        %dma_start3A_315 = arith.constant 0 : i32
        %dma_start3A_316 = tpu.memref_slice %arg3[%dma_start3A_314, %dma_start3A_315] : memref<2000000x64xf32, #tpu.memory_space<hbm>> -> memref<2000000x64xf32, #tpu.memory_space<hbm>>
        tpu.enqueue_indirect_dma source(%dma_start3A_316 : memref<2000000x64xf32, #tpu.memory_space<hbm>>) target(%dma_start3A_311 : memref<128x64xf32, #tpu.memory_space<vmem>>) offsets(%dma_start3A_313 : memref<128xi32, #tpu.memory_space<vmem>>) semaphore(%arg17 : memref<!tpu.dma_semaphore, #tpu.memory_space<semaphore_mem>>)
        %dma_start3A_317 = arith.constant 128 : i32
        %dma_start3A_318 = arith.constant 0 : i32
        %dma_start3A_319 = tpu.memref_slice %arg13[%dma_start3A_317, %dma_start3A_318] : memref<200x64xf32, #tpu.memory_space<vmem>> -> memref<72x64xf32, #tpu.memory_space<vmem>>
        %dma_start3A_320 = arith.constant 128 : i32
        %dma_start3A_321 = tpu.memref_slice %arg9[%dma_start3A_320] : memref<256xi32, #tpu.memory_space<vmem>> -> memref<72xi32, #tpu.memory_space<vmem>>
        %dma_start3A_322 = arith.constant 0 : i32
        %dma_start3A_323 = arith.constant 0 : i32
        %dma_start3A_324 = tpu.memref_slice %arg3[%dma_start3A_322, %dma_start3A_323] : memref<2000000x64xf32, #tpu.memory_space<hbm>> -> memref<2000000x64xf32, #tpu.memory_space<hbm>>
        tpu.enqueue_indirect_dma source(%dma_start3A_324 : memref<2000000x64xf32, #tpu.memory_space<hbm>>) target(%dma_start3A_319 : memref<72x64xf32, #tpu.memory_space<vmem>>) offsets(%dma_start3A_321 : memref<72xi32, #tpu.memory_space<vmem>>) semaphore(%arg17 : memref<!tpu.dma_semaphore, #tpu.memory_space<semaphore_mem>>)
      } else {
      }
    }
    %scan3A_68 = arith.constant 32 : i32
    %add3A_69 = arith.constant 127 : i32
    %add3A_70 = arith.addi %mul3A_2, %add3A_69 : i32
    %dma_wait3A = arith.constant 0 : i32
    %dma_wait3A_71 = arith.constant 0 : i32
    %dma_wait3A_72 = tpu.memref_slice %arg5[%add3A_70, %dma_wait3A, %dma_wait3A_71] : memref<4096x200x128xf32, #tpu.memory_space<hbm>> -> memref<1x200x64xf32, #tpu.memory_space<hbm>>
    %dma_wait3A_73 = tpu.memref_squeeze %dma_wait3A_72 : memref<1x200x64xf32, #tpu.memory_space<hbm>> -> memref<200x64xf32, #tpu.memory_space<hbm>>
    %dma_wait3A_74 = arith.constant 0 : i32
    %dma_wait3A_75 = arith.constant 0 : i32
    %dma_wait3A_76 = tpu.memref_slice %arg5[%add3A_70, %dma_wait3A_74, %dma_wait3A_75] : memref<4096x200x128xf32, #tpu.memory_space<hbm>> -> memref<1x200x64xf32, #tpu.memory_space<hbm>>
    %dma_wait3A_77 = tpu.memref_squeeze %dma_wait3A_76 : memref<1x200x64xf32, #tpu.memory_space<hbm>> -> memref<200x64xf32, #tpu.memory_space<hbm>>
    tpu.wait_dma2 semaphore(%arg22 : memref<!tpu.dma_semaphore, #tpu.memory_space<semaphore_mem>>) src(%arg14 : memref<200x64xf32, #tpu.memory_space<vmem>>) dst(%dma_wait3A_77 : memref<200x64xf32, #tpu.memory_space<hbm>>)
    return
  }
}

module attributes {stable_mosaic.version = 14 : i64} {
  func.func @wk(%arg0: i32, %arg1: memref<64x4096xf32, #tpu.memory_space<vmem>>, %arg2: memref<64x64xf32, #tpu.memory_space<vmem>>, %arg3: memref<4096x128xf32, #tpu.memory_space<vmem>>) attributes {dimension_semantics = [#tpu.dimension_semantics<arbitrary>], iteration_bounds = array<i64: 245>, scalar_prefetch = 0 : i64, scratch_operands = 0 : i64, tpu.core_type = #tpu.core_type<tc>, window_params = [{transform_indices = @transform_0, window_bounds = array<i64: 64, 4096>}, {pipeline_mode = #tpu.pipeline_mode<synchronous>, transform_indices = @transform_1, window_bounds = array<i64: 64, 64>}, {transform_indices = @transform_2, window_bounds = array<i64: 4096, 128>}]} {
    %get3A = arith.constant 0 : index
    %get3A_0 = arith.constant 0 : index
    %get3A_1 = vector.load %arg1[%get3A, %get3A_0] : memref<64x4096xf32, #tpu.memory_space<vmem>>, vector<64x4096xf32>
    %get3A_2 = arith.constant 0 : index
    %get3A_3 = arith.constant 0 : index
    %get3A_4 = vector.load %arg2[%get3A_2, %get3A_3] : memref<64x64xf32, #tpu.memory_space<vmem>>, vector<64x64xf32>
    %dot_general3A = arith.constant dense<0.000000e+00> : vector<4096x64xf32>
    %dot_general3A_5 = tpu.matmul %get3A_1, %get3A_4, %dot_general3A {dimension_numbers = #tpu.dot_dimension_numbers<[0], [0], [1], [1], [0, 1, 1, 1], [], []>, precision = #tpu.contract_precision<fp32>, transpose_lhs_hint = false} : vector<64x4096xf32>, vector<64x64xf32>, vector<4096x64xf32> -> vector<4096x64xf32>
    %swap3A = arith.constant 0 : index
    %swap3A_6 = arith.constant 0 : index
    %swap3A_7 = vector.load %arg3[%swap3A, %swap3A_6] : memref<4096x128xf32, #tpu.memory_space<vmem>>, vector<4096x64xf32>
    tpu.vector_store %arg3[%swap3A, %swap3A_6], %dot_general3A_5 {strides = array<i32>} : memref<4096x128xf32, #tpu.memory_space<vmem>>, vector<4096x64xf32>,
    return
  }
  func.func @transform_0(%arg0: i32) -> (i32, i32) {
    %c0_i32 = arith.constant 0 : i32
    %c0_i32_0 = arith.constant 0 : i32
    return %c0_i32, %arg0 : i32, i32
  }
  func.func @transform_1(%arg0: i32) -> (i32, i32) {
    %c0_i32 = arith.constant 0 : i32
    %c0_i32_0 = arith.constant 0 : i32
    %c0_i32_1 = arith.constant 0 : i32
    return %c0_i32, %c0_i32_0 : i32, i32
  }
  func.func @transform_2(%arg0: i32) -> (i32, i32) {
    %c0_i32 = arith.constant 0 : i32
    %c0_i32_0 = arith.constant 0 : i32
    return %arg0, %c0_i32 : i32, i32
  }
}

</mosaic_0001>

<sc_bundles>
// kernel: kernel.4.cloned.1.call-start
scs
__scs_entry_jumppad:
0x0: {  	(pc) =	sbr.rel $0x88, $3  }
0x1: {  	(tag) =	ssettag $0x0;
	lr =	simm.s32 $0x1  }
0x2: {  	[smem:$0x3F9E] =	sst lr;
	_ =	strace $0xD0000000  }
0x3: {  	_ = 	snop  }
0x4: {  	_ = 	snop  }
0x5: {  	_ = 	snop  }
0x6: {  	_ = 	snop  }
0x7: {  	_ = 	snop  }
__scs_overlays_trampoline_lowered:
0x8: {  	[smem:$0x3FAD] =	sst s0  }
0x9: {  	[smem:$0x3FAE] =	sst s1  }
0xa: {  	[smem:$0x3FAF] =	sst s2  }
0xb: {  	[smem:$0x3FB0] =	sst s3  }
0xc: {  	[smem:$0x3FB1] =	sst s4  }
0xd: {  	[smem:$0x3FB2] =	sst s5  }
0xe: {  	[smem:$0x3FB3] =	sst s6  }
0xf: {  	[smem:$0x3FB4] =	sst s7  }
0x10: {  	[smem:$0x3FB5] =	sst s8  }
0x11: {  	[smem:$0x3FB6] =	sst s9;
	s0 =	simm.s32 @!p0 $0x0  }
0x12: {  	s1 =	sld [smem:$0x3F9C];
	s0 =	simm.s32 @p0 $0x1  }
0x13: {  	[smem:$0x3FB7] =	sst s0;
	s0 =	simm.s32 @!p1 $0x0  }
0x14: {  	s2 =	sld [smem:$0x3F9B];
	s0 =	simm.s32 @p1 $0x1  }
0x15: {  	[smem:$0x3FB8] =	sst s0;
	s0 =	simm.s32 @!p2 $0x0  }
0x16: {  	s3 =	sld [smem:$0x3FDB];
	s0 =	simm.s32 @p2 $0x1  }
0x17: {  	s4 =	simm.s32 $0x1BF5;
	[smem:$0x3FBA] =	sst s0  }
0x18: {  	s0 =	sld [smem:$0x3F9D];
	_ =	swait.ge [sflag:s4], $0x0  }
0x19: {  	s7 =	sld [smem:$0x3F9E]  }
0x1a: {  	s8 =	sadd.s32 $0xFFFFE003, lr  }
0x1b: {  	s9 =	sadd.s32 $0xFFFFFEF7, lr;
	s5 =	simm.s32 $0xFFFFFFFF;
	p2 =	slt.u32 s8, $0xFFFFF086  }
0x1c: {  	p1 =	slt.u32 s9, $0xF7A;
	s5 =	simm.s32 @!p2 $0x0  }
0x1d: {  	s5 =	simm.s32 @p1 $0x1;
	p0 =	seq.s32 s7, s2  }
0x1e: {  	s7 =	smul.u32 @!p0 $0xF7A, s2;
	p2 =	seq.s32 @!p0 s5, $0x0  }
0x1f: {  	s9 =	smul.u32 $0xF7A, s1;
	s8 =	simm.s32 @!p0 $0x1BF5;
	p2 =	por !p2, p0  }
0x20: {  	[sflag:s8] =	ssyncset.s32 @!p0 $0xFFFFF086;
	s6 =	sadd.s32 @!p0 s3, s7;
	s7 =	simm.s32 @!p0 $0x108  }
0x21: {  	s3 =	sadd.s32 s3, s9;
	s6 =	sadd.s32 @!p0 $0x88, s6;
	s7 =	simm.s32 @p2 $0x1082  }
0x22: {  	[simem:s7], [sflag:s8] =	dma.local @!p0 [hbm:s6], $0xF7A  }
0x23: {  	s9 =	sor.u32 $0xD0000000, s2;
	s6 =	simm.s32 $0x108;
	_ =	swait.ge @!p0 [sflag:s8], $0x0  }
0x24: {  	s3 =	sadd.s32 $0x88, s3;
	s6 =	simm.s32 @!p1 $0x1082;
	[sflag:s4] =	ssyncset.s32 $0xFFFFF086  }
0x25: {  	[simem:s6], [sflag:s4] =	dma.local [hbm:s3], $0xF7A  }
0x26: {  	[smem:$0x3F9E] =	sst s1;
	(tag) =	ssettag s2;
	_ =	strace s9  }
0x27: {  	s1 =	sld [smem:$0x3FAE]  }
0x28: {  	s2 =	sld [smem:$0x3FAF]  }
0x29: {  	s4 =	sld [smem:$0x3FB1]  }
0x2a: {  	p0 =	seq.s32 s5, $0x0;
	s5 =	sld [smem:$0x3FB2]  }
0x2b: {  	s6 =	sld [smem:$0x3FB3]  }
0x2c: {  	s7 =	sld [smem:$0x3FB4]  }
0x2d: {  	s3 =	simm.s32 $0x108;
	s8 =	sld [smem:$0x3FB5]  }
0x2e: {  	s3 =	simm.s32 @!p0 $0x1082;
	s9 =	sld [smem:$0x3FB6]  }
0x2f: {  	lr =	sadd.s32 s0, s3;
	s0 =	sld [smem:$0x3FAD]  }
0x30: {  	s3 =	sld [smem:$0x3FB0]  }
0x31: {  	[smem:$0x3FB9] =	sst s10  }
0x32: {  	s10 =	sld [smem:$0x3FB7];
	_ =	sdelay $0x3  }
0x33: {  	p0 =	seq.s32 s10, $0x1;
	s10 =	sld [smem:$0x3FB9];
	_ =	sdelay $0x3  }
0x34: {  	[smem:$0x3FB9] =	sst s10  }
0x35: {  	s10 =	sld [smem:$0x3FB8];
	_ =	sdelay $0x3  }
0x36: {  	p1 =	seq.s32 s10, $0x1;
	s10 =	sld [smem:$0x3FB9];
	_ =	sdelay $0x3  }
0x37: {  	[smem:$0x3FB9] =	sst s10  }
0x38: {  	s10 =	sld [smem:$0x3FBA]  }
0x39: {  	_ = 	snop;
	(pc) =	sbr.ind lr, $3  }
0x3a: {  	_ = 	snop  }
0x3b: {  	_ = 	snop  }
0x3c: {  	p2 =	seq.s32 s10, $0x1;
	s10 =	sld [smem:$0x3FB9]  }
0x3d: {  	_ =	shalt  }
0x3e: {  	_ =	shalt  }
0x3f: {  	_ =	shalt  }
0x40: {  	_ =	shalt  }
0x41: {  	_ =	shalt  }
0x42: {  	_ =	shalt  }
0x43: {  	_ =	shalt  }
0x44: {  	_ =	shalt  }
0x45: {  	_ =	shalt  }
0x46: {  	_ =	shalt  }
0x47: {  	_ =	shalt  }
0x48: {  	_ =	shalt  }
0x49: {  	_ =	shalt  }
0x4a: {  	_ =	shalt  }
0x4b: {  	_ =	shalt  }
0x4c: {  	_ =	shalt  }
0x4d: {  	_ =	shalt  }
0x4e: {  	_ =	shalt  }
0x4f: {  	_ =	shalt  }
0x50: {  	_ =	shalt  }
0x51: {  	_ =	shalt  }
0x52: {  	_ =	shalt  }
0x53: {  	_ =	shalt  }
0x54: {  	_ =	shalt  }
0x55: {  	_ =	shalt  }
0x56: {  	_ =	shalt  }
0x57: {  	_ =	shalt  }
0x58: {  	_ =	shalt  }
0x59: {  	_ =	shalt  }
0x5a: {  	_ =	shalt  }
0x5b: {  	_ =	shalt  }
0x5c: {  	_ =	shalt  }
0x5d: {  	_ =	shalt  }
0x5e: {  	_ =	shalt  }
0x5f: {  	_ =	shalt  }
0x60: {  	_ =	shalt  }
0x61: {  	_ =	shalt  }
0x62: {  	_ =	shalt  }
0x63: {  	_ =	shalt  }
0x64: {  	_ =	shalt  }
0x65: {  	_ =	shalt  }
0x66: {  	_ =	shalt  }
0x67: {  	_ =	shalt  }
0x68: {  	_ =	shalt  }
0x69: {  	_ =	shalt  }
0x6a: {  	_ =	shalt  }
0x6b: {  	_ =	shalt  }
0x6c: {  	_ =	shalt  }
0x6d: {  	_ =	shalt  }
0x6e: {  	_ =	shalt  }
0x6f: {  	_ =	shalt  }
0x70: {  	_ =	shalt  }
0x71: {  	_ =	shalt  }
0x72: {  	_ =	shalt  }
0x73: {  	_ =	shalt  }
0x74: {  	_ =	shalt  }
0x75: {  	_ =	shalt  }
0x76: {  	_ =	shalt  }
0x77: {  	_ =	shalt  }
0x78: {  	_ =	shalt  }
0x79: {  	_ =	shalt  }
0x7a: {  	_ =	shalt  }
0x7b: {  	_ =	shalt  }
0x7c: {  	_ =	shalt  }
0x7d: {  	_ =	shalt  }
0x7e: {  	_ =	shalt  }
0x7f: {  	_ =	shalt  }
0x80: {  	_ =	shalt  }
0x81: {  	_ =	shalt  }
0x82: {  	_ =	shalt  }
0x83: {  	_ =	shalt  }
0x84: {  	_ =	shalt  }
0x85: {  	_ =	shalt  }
0x86: {  	_ =	shalt  }
0x87: {  	_ =	shalt  }
.Lfunc_end0:
.L_simem_size_0:
called_computation.1_lowered:
.L_overlay_start_0:
0x88: {  	s2 =	sld [smem:$0x3FD9]  }
0x89: {  	s3 =	sld [smem:$0x3FFE];
	_ =	sdelay $0x1  }
0x8a: {  	s1 =	srdreg.scid  }
0x8b: {  	s0 =	sand.u32 $0x1, s1  }
0x8c: {  	s17 =	sshll.u32 s0, $0xA;
	s2 =	sadd.s32 s3, s2  }
0x8d: {  	s2 =	sadd.s32 s2, s17  }
0x8e: {  	[smem:$0x3FC5] =	sst s2  }
0x8f: {  	_ = 	snop  }
0x90: {  	s2 =	sld [smem:$0x3FD0];
	(tm) =	ssettm $0x1  }
0x91: {  	s18 =	sld [smem:$0x3FFB];
	_ =	sdelay $0x3  }
0x92: {  	_ =	strace s18  }
0x93: {  	s3 =	sld [smem:$0x3FFC];
	_ =	sdelay $0x3  }
0x94: {  	_ =	strace s3  }
0x95: {  	s3 =	sld [smem:$0x3FFD];
	_ =	sdelay $0x3  }
0x96: {  	_ =	strace s3  }
0x97: {  	_ =	strace $0x8FFFFFFF  }
0x98: {  	s19 =	sld [smem:$0x3FDB];
	_ =	sdelay $0x1  }
0x99: {  	s4 =	simm.s32 $_scs_section_size  }
0x9a: {  	s5 =	simm.s32 $_size__tile_overlayer_lowered;
	s6 =	simm.s32 $_tile_overlayer_lowered  }
0x9b: {  	s22 =	simm.s32 $0x1BFF;
	s21 =	sshll.u32 s6, $0x1;
	s3 =	sadd.s32 s4, s19  }
0x9c: {  	s7 =	simm.s32 $0x0;
	s20 =	sshll.u32 s5, $0x1;
	s5 =	sadd.s32 s21, s3  }
0x9d: {  	[timem:s7], [sflag:s22] =	dma.local [hbm:s5], s20  }
0x9e: {  	_ =	swait.ge [sflag:s22], s20  }
0x9f: {  	s4 =	ssub.s32 $0x0, s20;
	[sflag:s22] =	ssyncset.done $0x0  }
0xa0: {  	[sflag:s22] =	ssyncadd.s32 s4;
	_ =	sdelay $0x1  }
0xa1: {  	s23 =	simm.s32 $0x1B8B  }
0xa2: {  	_ =	swait.ge [sflag:s23], $0x1  }
0xa3: {  	[sflag:s23] =	ssyncset.done $0x0  }
0xa4: {  	s25 =	simm.s32 $0x1B8E;
	s24 =	sld [smem:$0x3FFE];
	[sflag:s23] =	ssyncadd.s32 $0xFFFFFFFF  }
0xa5: {  	s26 =	simm.s32 $execute0_lowered;
	[smem:$0x3FD2] =	sst s25  }
0xa6: {  	s5 =	sshll.u32 s26, $0x1;
	_ =	strace $0x80000046;
	[dreg:$0x1] =	wrdreg $0xFFFFFFFF  }
0xa7: {  	s28 =	simm.s32 $_size_execute0_lowered;
	s3 =	sadd.s32 s3, s5;
	[dreg:$0x0] =	wrdreg $0x0  }
0xa8: {  	s5 =	sshll.u32 s28, $0x1;
	[dreg:$0x2] =	wrdreg s3  }
0xa9: {  	[dreg:$0x3] =	wrdreg s5  }
0xaa: {  	[dreg:$0x4] =	wrdreg $0xC0  }
0xab: {  	_ =	task [dreg:s7], $0x5FFFF  }
0xac: {  	[dreg:$0x1] =	wrdreg $0xFFFFFFFF  }
0xad: {  	[dreg:$0x0] =	wrdreg $0x60  }
0xae: {  	[dreg:$0x2] =	wrdreg s2  }
0xaf: {  	[dreg:$0x3] =	wrdreg s24  }
0xb0: {  	[dreg:$0x4] =	wrdreg $0x9  }
0xb1: {  	_ =	task.clear_ibuf [dreg:s7], $0x5FFFF;
	_ =	strace $0x90000046  }
0xb2: {  	s29 =	simm.s32 $0x9;
	_ =	strace $0x80000048  }
0xb3: {  	_ =	swait.ge [sflag:s29], $0x1  }
0xb4: {  	[sflag:s29] =	ssyncadd.s32 $0xFFFFFFFF  }
0xb5: {  	_ =	strace $0x90000048  }
0xb6: {  	_ =	sfence  }
0xb7: {  	s30 =	sld [smem:$0x0];
	_ =	sdelay $0x2  }
0xb8: {  	s31 =	sshll.u32 s1, $0xD;
	s1 =	sshrl.u32 s1, $0x2  }
0xb9: {  	s3 =	sand.u32 $0x4000, s31;
	s1 =	sadd.s32 s1, s30  }
0xba: {  	s0 =	sor.u32 s3, s0;
	s1 =	sshll.u32 s1, $0x11  }
0xbb: {  	s0 =	sor.u32 s1, s0  }
0xbc: {  	s0 =	sadd.s32 $0x8F2B, s0  }
0xbd: {  	[sflag:s0] =	ssyncadd.remote.s32 $0x1  }
0xbe: {  	_ =	sfence.sel $0xFFFF  }
0xbf: {  	[dreg:$0x0] =	wrdreg $0xFFFFFFFF;
	(pc) =	sbr.abs _section_cstart, $3  }
0xc0: {  	[dreg:$0x1] =	wrdreg $0xFFFFFFFF  }
0xc1: {  	_ =	task.clear_ibuf [dreg:s7], $0x2FFFF;
	_ =	strace $0x9FFFFFFF  }
0xc2: {  	(tm) =	ssettm $0x7FFFFFFF  }
0xc3: {  	_ =	shalt  }
tec
execute0_lowered:
.L_overlay_start_1:
0x0: {  	(tag) =	ssettag $0x1  }
0x1: {  	s1 =	rddreg [dreg:$0x0]  }
0x2: {  	s0 =	rddreg [dreg:$0x1];
	s2 =	srdreg.scid  }
0x3: {  	s4 =	simm.s32 $0x0;
	s3 =	stileid.u32;
	s19 =	simm.s32 $0x80  }
0x4: {  	s21 =	simm.s32 $0x48;
	s29 =	simm.s32 $0x3400;
	s30 =	simm.s32 $0x9A00  }
0x5: {  	s28 =	simm.s32 $0xCC00;
	s9 =	simm.s32 $0x2;
	s10 =	simm.s32 $0x5  }
0x6: {  	s11 =	simm.s32 $0x3;
	s16 =	simm.s32 $0x7;
	s8 =	simm.s32 $0xB  }
0x7: {  	s6 =	simm.s32 $0x0;
	s2 =	sand.u32 $0x1, s2;
	[smem:$0x7FF] =	sst s4  }
0x8: {  	s3 =	sshll.u32 s3, $0x8;
	s4 =	sadd.s32 $0x1000, s0;
	s22 =	sadd.s32 $0x800, s0  }
0x9: {  	s7 =	sadd.s32 $0xF43400, s0;
	s5 =	sshll.u32 s2, $0x7;
	_ =	strace $0x80000047  }
0xa: {  	[dreg:$0x3] =	wrdreg s22;
	s2 =	ssub.s32 $0x2, s2;
	s5 =	sor.u32 s5, s3  }
0xb: {  	s22 =	simm.s32 $0x1;
	s24 =	sshrl.u32 s2, $0x1;
	s23 =	sshll.u32 s5, $0x5  }
0xc: {  	s0 =	ssub.s32 s2, s24;
	s12 =	sor.u32 $0x4, s5;
	s13 =	sor.u32 $0x5, s5  }
0xd: {  	s14 =	sor.u32 $0x6, s5;
	s15 =	sor.u32 $0x7, s5;
	s3 =	sadd.s32 s1, s23  }
.Ltmp0:
0xe: {  	s0 =	smax.u32 s0, $0x1;
	[dreg:$0x4] =	wrdreg s3;
	(pc) =	sbr.rel .LBB2_1-.Ltmp0, $4  }
0xf: {  	s2 =	simm.s32 $0x3500;
	s25 =	sadd.s32 $0x20, s3;
	[dreg:$0x8] =	wrdreg s0  }
0x10: {  	s24 =	simm.s32 $0x6;
	s26 =	sadd.s32 $0x40, s3;
	[dreg:$0x5] =	wrdreg s25  }
0x11: {  	s23 =	simm.s32 $0x40;
	s31 =	sadd.s32 $0x60, s3;
	[dreg:$0x6] =	wrdreg s26  }
0x12: {  	[dreg:$0x7] =	wrdreg s31;
	s25 =	simm.s32 $0x6800;
	s26 =	simm.s32 $0xC  }
.LBB2_12:
0x13: {  	s3 =	simm.s32 $0x8  }
0x14: {  	_ =	swait.ge [sflag:s3], $0x3200  }
0x15: {  	s6 =	rddreg [dreg:$0x9]  }
0x16: {  	s0 =	rddreg [dreg:$0x8];
	s6 =	sadd.s32 $0x1, s6  }
0x17: {  	p0 =	sne.s32 s6, s0  }
.Ltmp1:
0x18: {  	_ = 	snop;
	(pc) =	sbr.rel @!p0 .LBB2_13-.Ltmp1, $3  }
0x19: {  	_ =	sdelay $0x1  }
0x1a: {  	[sflag:s3] =	ssyncset.done $0x0  }
0x1b: {  	[sflag:s3] =	ssyncadd.s32 $0xFFFFCE00  }
.LBB2_1:
0x1c: {  	[dreg:$0x9] =	wrdreg s6  }
0x1d: {  	s0 =	simm.s32 $0x0;
	s3 =	rddreg [dreg:$0x3];
	s6 =	simm.s32 $0xD  }
0x1e: {  	[tilespmem:s0], [sflag:$0xD] =	stream.linear.gather [hbm4b:s3+s0], $0x3200, $0x38;
	[tilespmem:$0xFE00] =	vst v63  }
0x1f: {  	_ =	swait.ge [sflag:s6], $0x3200  }
0x20: {  	[sflag:s6] =	ssyncset.done $0x0  }
0x21: {  	s17 =	simm.s32 $0x3200;
	s31 =	rddreg [dreg:$0x4];
	[sflag:s6] =	ssyncadd.s32 $0xFFFFCE00  }
0x22: {  	[tilespmem:s17], [sflag:$0xD] =	stream.linear.gather [hbm4b:s31+s0], $0x100, $0x38;
	[tilespmem:$0xFE00] =	vst v63  }
0x23: {  	_ =	swait.ge [sflag:s6], $0x100  }
0x24: {  	[sflag:s6] =	ssyncset.done $0x0  }
0x25: {  	s18 =	simm.s32 $0x3600;
	[sflag:s6] =	ssyncadd.s32 $0xFFFFFF00  }
0x26: {  	[tilespmem:s18], [sflag:$0x1] =	stream.indirect.gather [hbm4b:s4+s19], $0x40, s17, s19, $0xb8;
	[tilespmem:$0xFE00] =	vst v63  }
0x27: {  	s20 =	simm.s32 $0x3280;
	s31 =	simm.s32 $0x5600  }
0x28: {  	[tilespmem:s31], [sflag:$0x1] =	stream.indirect.gather [hbm4b:s4+s21], $0x40, s20, s21, $0xb8;
	[tilespmem:$0xFE00] =	vst v63  }
0x29: {  	s17 =	rddreg [dreg:$0x5];
	s18 =	simm.s32 $0x3300  }
0x2a: {  	[tilespmem:s18], [sflag:$0xD] =	stream.linear.gather [hbm4b:s17+s0], $0x100, $0x38;
	[tilespmem:$0xFE00] =	vst v63  }
0x2b: {  	_ =	swait.ge [sflag:s6], $0x100  }
0x2c: {  	[sflag:s6] =	ssyncset.done $0x0  }
0x2d: {  	[sflag:s6] =	ssyncadd.s32 $0xFFFFFF00  }
0x2e: {  	[tilespmem:s25], [sflag:$0x2] =	stream.indirect.gather [hbm4b:s4+s19], $0x40, s18, s19, $0xb8;
	[tilespmem:$0xFE00] =	vst v63  }
0x2f: {  	s20 =	simm.s32 $0x3380;
	s31 =	simm.s32 $0x8800  }
0x30: {  	[tilespmem:s31], [sflag:$0x2] =	stream.indirect.gather [hbm4b:s4+s21], $0x40, s20, s21, $0xb8;
	[tilespmem:$0xFE00] =	vst v63  }
0x31: {  	s17 =	rddreg [dreg:$0x6]  }
0x32: {  	[tilespmem:s29], [sflag:$0xD] =	stream.linear.gather [hbm4b:s17+s0], $0x100, $0x38;
	[tilespmem:$0xFE00] =	vst v63  }
0x33: {  	_ =	swait.ge [sflag:s6], $0x100  }
0x34: {  	[sflag:s6] =	ssyncset.done $0x0  }
0x35: {  	[sflag:s6] =	ssyncadd.s32 $0xFFFFFF00  }
0x36: {  	[tilespmem:s30], [sflag:$0x3] =	stream.indirect.gather [hbm4b:s4+s19], $0x40, s29, s19, $0xb8;
	[tilespmem:$0xFE00] =	vst v63  }
0x37: {  	s18 =	simm.s32 $0x3480;
	s20 =	simm.s32 $0xBA00  }
0x38: {  	[tilespmem:s20], [sflag:$0x3] =	stream.indirect.gather [hbm4b:s4+s21], $0x40, s18, s21, $0xb8;
	[tilespmem:$0xFE00] =	vst v63  }
0x39: {  	s17 =	simm.s32 $0x0;
	s31 =	rddreg [dreg:$0x7]  }
0x3a: {  	[tilespmem:s2], [sflag:$0xC] =	stream.linear.gather [hbm4b:s31+s0], $0x100, $0x38;
	[tilespmem:$0xFE00] =	vst v63  }
.LBB2_2:
0x3b: {  	_ =	swait.ge [sflag:s22], $0x2000  }
0x3c: {  	[sflag:s22] =	ssyncset.done $0x0  }
0x3d: {  	s3 =	sshll.u32 s17, $0x2;
	p0 =	seq.s32 s17, $0x1F;
	[sflag:s22] =	ssyncadd.s32 $0xFFFFE000  }
0x3e: {  	s0 =	sadd.s32 @!p0 s3, s12;
	_ =	swait.ge [sflag:s22], $0x1200  }
0x3f: {  	s6 =	simm.s32 @!p0 $0x0;
	s0 =	sshll.u32 @!p0 s0, $0x5;
	[sflag:s22] =	ssyncset.done $0x0  }
0x40: {  	s18 =	simm.s32 @!p0 $0x3200;
	s0 =	sadd.s32 @!p0 s1, s0;
	[sflag:s22] =	ssyncadd.s32 $0xFFFFEE00  }
0x41: {  	[tilespmem:s18], [sflag:$0x9] =	stream.linear.gather @!p0 [hbm4b:s0+s6], $0x100, $0x38;
	[tilespmem:$0xFE00] =	vst v63  }
0x42: {  	s0 =	simm.s32 $0x0  }
0x43: {  	v0 =	vld [tilespmem:s0+$0xF0]  }
0x44: {  	v1 =	vld [tilespmem:s0+$0x0]  }
0x45: {  	v2 =	vld [tilespmem:s0+$0x10]  }
0x46: {  	v3 =	vld [tilespmem:s0+$0x20]  }
0x47: {  	v4 =	vld [tilespmem:s0+$0x30]  }
0x48: {  	v5 =	vld [tilespmem:s0+$0x40]  }
0x49: {  	v6 =	vld [tilespmem:s0+$0x50]  }
0x4a: {  	v7 =	vld [tilespmem:s0+$0x60]  }
0x4b: {  	v8 =	vld [tilespmem:s0+$0x70]  }
0x4c: {  	v9 =	vld [tilespmem:s0+$0x80]  }
0x4d: {  	v10 =	vld [tilespmem:s0+$0x90]  }
0x4e: {  	v11 =	vld [tilespmem:s0+$0xA0]  }
0x4f: {  	v12 =	vld [tilespmem:s0+$0xB0]  }
0x50: {  	v13 =	vld [tilespmem:s0+$0xC0]  }
0x51: {  	v14 =	vld [tilespmem:s0+$0xD0]  }
0x52: {  	[tilespmem:s0+$0x36F0] =	vst.add.f32.msk $0xffff, v0  }
0x53: {  	v0 =	vld [tilespmem:s0+$0xE0]  }
0x54: {  	[tilespmem:s0+$0x3600] =	vst.add.f32.msk $0xffff, v1  }
0x55: {  	[tilespmem:s0+$0x3610] =	vst.add.f32.msk $0xffff, v2  }
0x56: {  	[tilespmem:s0+$0x3620] =	vst.add.f32.msk $0xffff, v3  }
0x57: {  	[tilespmem:s0+$0x3630] =	vst.add.f32.msk $0xffff, v4  }
0x58: {  	[tilespmem:s0+$0x3640] =	vst.add.f32.msk $0xffff, v5  }
0x59: {  	[tilespmem:s0+$0x3650] =	vst.add.f32.msk $0xffff, v6  }
0x5a: {  	[tilespmem:s0+$0x3660] =	vst.add.f32.msk $0xffff, v7  }
0x5b: {  	[tilespmem:s0+$0x3670] =	vst.add.f32.msk $0xffff, v8  }
0x5c: {  	[tilespmem:s0+$0x3680] =	vst.add.f32.msk $0xffff, v9  }
0x5d: {  	[tilespmem:s0+$0x3690] =	vst.add.f32.msk $0xffff, v10  }
0x5e: {  	[tilespmem:s0+$0x36A0] =	vst.add.f32.msk $0xffff, v11  }
0x5f: {  	[tilespmem:s0+$0x36B0] =	vst.add.f32.msk $0xffff, v12  }
0x60: {  	[tilespmem:s0+$0x36C0] =	vst.add.f32.msk $0xffff, v13  }
0x61: {  	s6 =	simm.s32 $0x0;
	s18 =	simm.s32 $0x400;
	[tilespmem:s0+$0x36D0] =	vst.add.f32.msk $0xffff, v14  }
.LBB2_3:
0x62: {  	s6 =	sadd.s32 $0x4, s6;
	[tilespmem:s0+$0x36E0] =	vst.add.f32.msk $0xffff, v0;
	s0 =	sshra.s32 s18, $0x2  }
0x63: {  	v0 =	vld [tilespmem:s0+$0xF0];
	p1 =	slt.u32 s6, $0xC4  }
0x64: {  	v1 =	vld [tilespmem:s0+$0x0]  }
0x65: {  	v2 =	vld [tilespmem:s0+$0x10]  }
0x66: {  	v3 =	vld [tilespmem:s0+$0x20]  }
0x67: {  	v4 =	vld [tilespmem:s0+$0x30]  }
0x68: {  	[tilespmem:s0+$0x36F0] =	vst.add.f32.msk $0xffff, v0  }
0x69: {  	v5 =	vld [tilespmem:s0+$0x40]  }
0x6a: {  	v6 =	vld [tilespmem:s0+$0x50]  }
0x6b: {  	v7 =	vld [tilespmem:s0+$0x60]  }
0x6c: {  	v8 =	vld [tilespmem:s0+$0x70]  }
0x6d: {  	v9 =	vld [tilespmem:s0+$0x80]  }
0x6e: {  	v10 =	vld [tilespmem:s0+$0x90]  }
0x6f: {  	v11 =	vld [tilespmem:s0+$0xA0]  }
0x70: {  	v12 =	vld [tilespmem:s0+$0xB0]  }
0x71: {  	v13 =	vld [tilespmem:s0+$0xC0]  }
0x72: {  	v14 =	vld [tilespmem:s0+$0xD0]  }
0x73: {  	v0 =	vld [tilespmem:s0+$0xE0]  }
0x74: {  	[tilespmem:s0+$0x3600] =	vst.add.f32.msk $0xffff, v1  }
0x75: {  	[tilespmem:s0+$0x3610] =	vst.add.f32.msk $0xffff, v2  }
0x76: {  	[tilespmem:s0+$0x3620] =	vst.add.f32.msk $0xffff, v3  }
0x77: {  	[tilespmem:s0+$0x3630] =	vst.add.f32.msk $0xffff, v4  }
0x78: {  	[tilespmem:s0+$0x3640] =	vst.add.f32.msk $0xffff, v5  }
0x79: {  	[tilespmem:s0+$0x3650] =	vst.add.f32.msk $0xffff, v6  }
0x7a: {  	[tilespmem:s0+$0x3660] =	vst.add.f32.msk $0xffff, v7  }
0x7b: {  	[tilespmem:s0+$0x3670] =	vst.add.f32.msk $0xffff, v8  }
0x7c: {  	[tilespmem:s0+$0x3680] =	vst.add.f32.msk $0xffff, v9  }
.Ltmp2:
0x7d: {  	[tilespmem:s0+$0x3690] =	vst.add.f32.msk $0xffff, v10;
	(pc) =	sbr.rel @p1 .LBB2_3-.Ltmp2, $4  }
0x7e: {  	[tilespmem:s0+$0x36A0] =	vst.add.f32.msk $0xffff, v11  }
0x7f: {  	[tilespmem:s0+$0x36B0] =	vst.add.f32.msk $0xffff, v12  }
0x80: {  	[tilespmem:s0+$0x36C0] =	vst.add.f32.msk $0xffff, v13  }
0x81: {  	s18 =	sadd.s32 $0x400, s18;
	[tilespmem:s0+$0x36D0] =	vst.add.f32.msk $0xffff, v14  }
0x82: {  	s6 =	sadd.s32 s5, s3  }
0x83: {  	s6 =	smul.u32 $0xC80, s6  }
0x84: {  	p1 =	seq.s32 s17, $0x0  }
0x85: {  	[tilespmem:s0+$0x36E0] =	vst.add.f32.msk $0xffff, v0;
	s20 =	simm.s32 $0x3600;
	s0 =	simm.s32 @!p1 $0x8;
	s18 =	sadd.s32 s7, s6  }
0x86: {  	[hbm4b:s18+s23] =	stream.strided.scatter [tilespmem:s20], [sflag:$0x5], $0x3200, s19, s23, $0x38;
	[tilespmem:$0xFE00] =	vst v63  }
0x87: {  	_ =	swait.ge @!p1 [sflag:s0], $0x3200  }
0x88: {  	[sflag:s0] =	ssyncset.done @!p1 $0x0  }
0x89: {  	[sflag:s0] =	ssyncadd.s32 @!p1 $0xFFFFCE00  }
0x8a: {  	_ =	swait.ge [sflag:s26], $0x100  }
0x8b: {  	[sflag:s26] =	ssyncset.done $0x0  }
0x8c: {  	[sflag:s26] =	ssyncadd.s32 $0xFFFFFF00  }
0x8d: {  	[tilespmem:s28], [sflag:$0x4] =	stream.indirect.gather [hbm4b:s4+s19], $0x40, s2, s19, $0xb8;
	[tilespmem:$0xFE00] =	vst v63  }
0x8e: {  	s18 =	simm.s32 $0x3580;
	s20 =	simm.s32 $0xEC00  }
0x8f: {  	[tilespmem:s20], [sflag:$0x4] =	stream.indirect.gather [hbm4b:s4+s21], $0x40, s18, s21, $0xb8;
	[tilespmem:$0xFE00] =	vst v63  }
0x90: {  	_ =	swait.ge [sflag:s9], $0x2000  }
0x91: {  	[sflag:s9] =	ssyncset.done $0x0  }
0x92: {  	[sflag:s9] =	ssyncadd.s32 $0xFFFFE000  }
0x93: {  	s0 =	sadd.s32 @!p0 s3, s13;
	_ =	swait.ge [sflag:s9], $0x1200  }
0x94: {  	s6 =	simm.s32 @!p0 $0x0;
	s0 =	sshll.u32 @!p0 s0, $0x5;
	[sflag:s9] =	ssyncset.done $0x0  }
0x95: {  	s0 =	sadd.s32 @!p0 s1, s0;
	s18 =	simm.s32 @!p0 $0x3300;
	[sflag:s9] =	ssyncadd.s32 $0xFFFFEE00  }
0x96: {  	[tilespmem:s18], [sflag:$0xA] =	stream.linear.gather @!p0 [hbm4b:s0+s6], $0x100, $0x38;
	[tilespmem:$0xFE00] =	vst v63  }
0x97: {  	s0 =	simm.s32 $0x0  }
0x98: {  	v0 =	vld [tilespmem:s0+$0xF0]  }
0x99: {  	v1 =	vld [tilespmem:s0+$0x0]  }
0x9a: {  	v2 =	vld [tilespmem:s0+$0x10]  }
0x9b: {  	v3 =	vld [tilespmem:s0+$0x20]  }
0x9c: {  	v4 =	vld [tilespmem:s0+$0x30]  }
0x9d: {  	v5 =	vld [tilespmem:s0+$0x40]  }
0x9e: {  	v6 =	vld [tilespmem:s0+$0x50]  }
0x9f: {  	v7 =	vld [tilespmem:s0+$0x60]  }
0xa0: {  	v8 =	vld [tilespmem:s0+$0x70]  }
0xa1: {  	v9 =	vld [tilespmem:s0+$0x80]  }
0xa2: {  	v10 =	vld [tilespmem:s0+$0x90]  }
0xa3: {  	v11 =	vld [tilespmem:s0+$0xA0]  }
0xa4: {  	v12 =	vld [tilespmem:s0+$0xB0]  }
0xa5: {  	v13 =	vld [tilespmem:s0+$0xC0]  }
0xa6: {  	v14 =	vld [tilespmem:s0+$0xD0]  }
0xa7: {  	[tilespmem:s0+$0x68F0] =	vst.add.f32.msk $0xffff, v0  }
0xa8: {  	v0 =	vld [tilespmem:s0+$0xE0]  }
0xa9: {  	[tilespmem:s0+$0x6800] =	vst.add.f32.msk $0xffff, v1  }
0xaa: {  	[tilespmem:s0+$0x6810] =	vst.add.f32.msk $0xffff, v2  }
0xab: {  	[tilespmem:s0+$0x6820] =	vst.add.f32.msk $0xffff, v3  }
0xac: {  	[tilespmem:s0+$0x6830] =	vst.add.f32.msk $0xffff, v4  }
0xad: {  	[tilespmem:s0+$0x6840] =	vst.add.f32.msk $0xffff, v5  }
0xae: {  	[tilespmem:s0+$0x6850] =	vst.add.f32.msk $0xffff, v6  }
0xaf: {  	[tilespmem:s0+$0x6860] =	vst.add.f32.msk $0xffff, v7  }
0xb0: {  	[tilespmem:s0+$0x6870] =	vst.add.f32.msk $0xffff, v8  }
0xb1: {  	[tilespmem:s0+$0x6880] =	vst.add.f32.msk $0xffff, v9  }
0xb2: {  	[tilespmem:s0+$0x6890] =	vst.add.f32.msk $0xffff, v10  }
0xb3: {  	[tilespmem:s0+$0x68A0] =	vst.add.f32.msk $0xffff, v11  }
0xb4: {  	[tilespmem:s0+$0x68B0] =	vst.add.f32.msk $0xffff, v12  }
0xb5: {  	s31 =	sor.u32 $0x3, s3;
	[tilespmem:s0+$0x68C0] =	vst.add.f32.msk $0xffff, v13  }
0xb6: {  	s20 =	simm.s32 $0x400;
	s6 =	sor.u32 $0x1, s3;
	s18 =	simm.s32 $0x0;
	[tilespmem:s0+$0x68D0] =	vst.add.f32.msk $0xffff, v14  }
.LBB2_5:
0xb7: {  	s18 =	sadd.s32 $0x4, s18;
	[tilespmem:s0+$0x68E0] =	vst.add.f32.msk $0xffff, v0;
	s0 =	sshra.s32 s20, $0x2  }
0xb8: {  	v0 =	vld [tilespmem:s0+$0xF0];
	p1 =	slt.u32 s18, $0xC4  }
0xb9: {  	v1 =	vld [tilespmem:s0+$0x0]  }
0xba: {  	v2 =	vld [tilespmem:s0+$0x10]  }
0xbb: {  	v3 =	vld [tilespmem:s0+$0x20]  }
0xbc: {  	v4 =	vld [tilespmem:s0+$0x30]  }
0xbd: {  	[tilespmem:s0+$0x68F0] =	vst.add.f32.msk $0xffff, v0  }
0xbe: {  	v5 =	vld [tilespmem:s0+$0x40]  }
0xbf: {  	v6 =	vld [tilespmem:s0+$0x50]  }
0xc0: {  	v7 =	vld [tilespmem:s0+$0x60]  }
0xc1: {  	v8 =	vld [tilespmem:s0+$0x70]  }
0xc2: {  	v9 =	vld [tilespmem:s0+$0x80]  }
0xc3: {  	v10 =	vld [tilespmem:s0+$0x90]  }
0xc4: {  	v11 =	vld [tilespmem:s0+$0xA0]  }
0xc5: {  	v12 =	vld [tilespmem:s0+$0xB0]  }
0xc6: {  	v13 =	vld [tilespmem:s0+$0xC0]  }
0xc7: {  	v14 =	vld [tilespmem:s0+$0xD0]  }
0xc8: {  	v0 =	vld [tilespmem:s0+$0xE0]  }
0xc9: {  	[tilespmem:s0+$0x6800] =	vst.add.f32.msk $0xffff, v1  }
0xca: {  	[tilespmem:s0+$0x6810] =	vst.add.f32.msk $0xffff, v2  }
0xcb: {  	[tilespmem:s0+$0x6820] =	vst.add.f32.msk $0xffff, v3  }
0xcc: {  	[tilespmem:s0+$0x6830] =	vst.add.f32.msk $0xffff, v4  }
0xcd: {  	[tilespmem:s0+$0x6840] =	vst.add.f32.msk $0xffff, v5  }
0xce: {  	[tilespmem:s0+$0x6850] =	vst.add.f32.msk $0xffff, v6  }
0xcf: {  	[tilespmem:s0+$0x6860] =	vst.add.f32.msk $0xffff, v7  }
0xd0: {  	[tilespmem:s0+$0x6870] =	vst.add.f32.msk $0xffff, v8  }
0xd1: {  	[tilespmem:s0+$0x6880] =	vst.add.f32.msk $0xffff, v9  }
.Ltmp3:
0xd2: {  	[tilespmem:s0+$0x6890] =	vst.add.f32.msk $0xffff, v10;
	(pc) =	sbr.rel @p1 .LBB2_5-.Ltmp3, $4  }
0xd3: {  	[tilespmem:s0+$0x68A0] =	vst.add.f32.msk $0xffff, v11  }
0xd4: {  	[tilespmem:s0+$0x68B0] =	vst.add.f32.msk $0xffff, v12  }
0xd5: {  	[tilespmem:s0+$0x68C0] =	vst.add.f32.msk $0xffff, v13  }
0xd6: {  	s20 =	sadd.s32 $0x400, s20;
	[tilespmem:s0+$0x68D0] =	vst.add.f32.msk $0xffff, v14  }
0xd7: {  	s6 =	sadd.s32 s5, s6  }
0xd8: {  	s6 =	smul.u32 $0xC80, s6;
	_ =	sdelay $0x1  }
0xd9: {  	[tilespmem:s0+$0x68E0] =	vst.add.f32.msk $0xffff, v0;
	s20 =	sadd.s32 s7, s6  }
0xda: {  	[hbm4b:s20+s23] =	stream.strided.scatter [tilespmem:s25], [sflag:$0x6], $0x3200, s19, s23, $0x38;
	[tilespmem:$0xFE00] =	vst v63  }
0xdb: {  	_ =	swait.ge [sflag:s10], $0x3200  }
0xdc: {  	[sflag:s10] =	ssyncset.done $0x0  }
0xdd: {  	s0 =	simm.s32 @!p0 $0x9;
	[sflag:s10] =	ssyncadd.s32 $0xFFFFCE00  }
0xde: {  	_ =	swait.ge @!p0 [sflag:s0], $0x100  }
0xdf: {  	s18 =	simm.s32 @!p0 $0x3600;
	[sflag:s0] =	ssyncset.done @!p0 $0x0  }
0xe0: {  	s6 =	simm.s32 @!p0 $0x3200;
	[sflag:s0] =	ssyncadd.s32 @!p0 $0xFFFFFF00;
	s0 =	simm.s32 @!p0 $0x80  }
0xe1: {  	[tilespmem:s18], [sflag:$0x1] =	stream.indirect.gather @!p0 [hbm4b:s4+s0], $0x40, s6, s0, $0xb8;
	[tilespmem:$0xFE00] =	vst v63  }
0xe2: {  	s0 =	simm.s32 @!p0 $0x48;
	s6 =	simm.s32 @!p0 $0x3280;
	s18 =	simm.s32 @!p0 $0x5600  }
0xe3: {  	[tilespmem:s18], [sflag:$0x1] =	stream.indirect.gather @!p0 [hbm4b:s4+s0], $0x40, s6, s0, $0xb8;
	[tilespmem:$0xFE00] =	vst v63  }
0xe4: {  	_ =	swait.ge [sflag:s11], $0x2000  }
0xe5: {  	[sflag:s11] =	ssyncset.done $0x0  }
0xe6: {  	[sflag:s11] =	ssyncadd.s32 $0xFFFFE000  }
0xe7: {  	s0 =	sadd.s32 @!p0 s3, s14;
	_ =	swait.ge [sflag:s11], $0x1200  }
0xe8: {  	s6 =	simm.s32 @!p0 $0x0;
	s0 =	sshll.u32 @!p0 s0, $0x5;
	[sflag:s11] =	ssyncset.done $0x0  }
0xe9: {  	s18 =	simm.s32 @!p0 $0x3400;
	s0 =	sadd.s32 @!p0 s1, s0;
	[sflag:s11] =	ssyncadd.s32 $0xFFFFEE00  }
0xea: {  	[tilespmem:s18], [sflag:$0xB] =	stream.linear.gather @!p0 [hbm4b:s0+s6], $0x100, $0x38;
	[tilespmem:$0xFE00] =	vst v63  }
0xeb: {  	s0 =	simm.s32 $0x0  }
0xec: {  	v0 =	vld [tilespmem:s0+$0xF0]  }
0xed: {  	v1 =	vld [tilespmem:s0+$0x0]  }
0xee: {  	v2 =	vld [tilespmem:s0+$0x10]  }
0xef: {  	v3 =	vld [tilespmem:s0+$0x20]  }
0xf0: {  	v4 =	vld [tilespmem:s0+$0x30]  }
0xf1: {  	v5 =	vld [tilespmem:s0+$0x40]  }
0xf2: {  	v6 =	vld [tilespmem:s0+$0x50]  }
0xf3: {  	v7 =	vld [tilespmem:s0+$0x60]  }
0xf4: {  	v8 =	vld [tilespmem:s0+$0x70]  }
0xf5: {  	v9 =	vld [tilespmem:s0+$0x80]  }
0xf6: {  	v10 =	vld [tilespmem:s0+$0x90]  }
0xf7: {  	v11 =	vld [tilespmem:s0+$0xA0]  }
0xf8: {  	v12 =	vld [tilespmem:s0+$0xB0]  }
0xf9: {  	v13 =	vld [tilespmem:s0+$0xC0]  }
0xfa: {  	v14 =	vld [tilespmem:s0+$0xD0]  }
0xfb: {  	[tilespmem:s0+$0x9AF0] =	vst.add.f32.msk $0xffff, v0  }
0xfc: {  	v0 =	vld [tilespmem:s0+$0xE0]  }
0xfd: {  	[tilespmem:s0+$0x9A00] =	vst.add.f32.msk $0xffff, v1  }
0xfe: {  	[tilespmem:s0+$0x9A10] =	vst.add.f32.msk $0xffff, v2  }
0xff: {  	[tilespmem:s0+$0x9A20] =	vst.add.f32.msk $0xffff, v3  }
0x100: {  	[tilespmem:s0+$0x9A30] =	vst.add.f32.msk $0xffff, v4  }
0x101: {  	[tilespmem:s0+$0x9A40] =	vst.add.f32.msk $0xffff, v5  }
0x102: {  	[tilespmem:s0+$0x9A50] =	vst.add.f32.msk $0xffff, v6  }
0x103: {  	[tilespmem:s0+$0x9A60] =	vst.add.f32.msk $0xffff, v7  }
0x104: {  	[tilespmem:s0+$0x9A70] =	vst.add.f32.msk $0xffff, v8  }
0x105: {  	[tilespmem:s0+$0x9A80] =	vst.add.f32.msk $0xffff, v9  }
0x106: {  	[tilespmem:s0+$0x9A90] =	vst.add.f32.msk $0xffff, v10  }
0x107: {  	[tilespmem:s0+$0x9AA0] =	vst.add.f32.msk $0xffff, v11  }
0x108: {  	[tilespmem:s0+$0x9AB0] =	vst.add.f32.msk $0xffff, v12  }
0x109: {  	[tilespmem:s0+$0x9AC0] =	vst.add.f32.msk $0xffff, v13  }
0x10a: {  	s20 =	simm.s32 $0x400;
	s6 =	sor.u32 $0x2, s3;
	s18 =	simm.s32 $0x0;
	[tilespmem:s0+$0x9AD0] =	vst.add.f32.msk $0xffff, v14  }
.LBB2_7:
0x10b: {  	s18 =	sadd.s32 $0x4, s18;
	[tilespmem:s0+$0x9AE0] =	vst.add.f32.msk $0xffff, v0;
	s0 =	sshra.s32 s20, $0x2  }
0x10c: {  	v0 =	vld [tilespmem:s0+$0xF0];
	p1 =	slt.u32 s18, $0xC4  }
0x10d: {  	v1 =	vld [tilespmem:s0+$0x0]  }
0x10e: {  	v2 =	vld [tilespmem:s0+$0x10]  }
0x10f: {  	v3 =	vld [tilespmem:s0+$0x20]  }
0x110: {  	v4 =	vld [tilespmem:s0+$0x30]  }
0x111: {  	[tilespmem:s0+$0x9AF0] =	vst.add.f32.msk $0xffff, v0  }
0x112: {  	v5 =	vld [tilespmem:s0+$0x40]  }
0x113: {  	v6 =	vld [tilespmem:s0+$0x50]  }
0x114: {  	v7 =	vld [tilespmem:s0+$0x60]  }
0x115: {  	v8 =	vld [tilespmem:s0+$0x70]  }
0x116: {  	v9 =	vld [tilespmem:s0+$0x80]  }
0x117: {  	v10 =	vld [tilespmem:s0+$0x90]  }
0x118: {  	v11 =	vld [tilespmem:s0+$0xA0]  }
0x119: {  	v12 =	vld [tilespmem:s0+$0xB0]  }
0x11a: {  	v13 =	vld [tilespmem:s0+$0xC0]  }
0x11b: {  	v14 =	vld [tilespmem:s0+$0xD0]  }
0x11c: {  	v0 =	vld [tilespmem:s0+$0xE0]  }
0x11d: {  	[tilespmem:s0+$0x9A00] =	vst.add.f32.msk $0xffff, v1  }
0x11e: {  	[tilespmem:s0+$0x9A10] =	vst.add.f32.msk $0xffff, v2  }
0x11f: {  	[tilespmem:s0+$0x9A20] =	vst.add.f32.msk $0xffff, v3  }
0x120: {  	[tilespmem:s0+$0x9A30] =	vst.add.f32.msk $0xffff, v4  }
0x121: {  	[tilespmem:s0+$0x9A40] =	vst.add.f32.msk $0xffff, v5  }
0x122: {  	[tilespmem:s0+$0x9A50] =	vst.add.f32.msk $0xffff, v6  }
0x123: {  	[tilespmem:s0+$0x9A60] =	vst.add.f32.msk $0xffff, v7  }
0x124: {  	[tilespmem:s0+$0x9A70] =	vst.add.f32.msk $0xffff, v8  }
0x125: {  	[tilespmem:s0+$0x9A80] =	vst.add.f32.msk $0xffff, v9  }
.Ltmp4:
0x126: {  	[tilespmem:s0+$0x9A90] =	vst.add.f32.msk $0xffff, v10;
	(pc) =	sbr.rel @p1 .LBB2_7-.Ltmp4, $4  }
0x127: {  	[tilespmem:s0+$0x9AA0] =	vst.add.f32.msk $0xffff, v11  }
0x128: {  	[tilespmem:s0+$0x9AB0] =	vst.add.f32.msk $0xffff, v12  }
0x129: {  	[tilespmem:s0+$0x9AC0] =	vst.add.f32.msk $0xffff, v13  }
0x12a: {  	s20 =	sadd.s32 $0x400, s20;
	[tilespmem:s0+$0x9AD0] =	vst.add.f32.msk $0xffff, v14  }
0x12b: {  	s6 =	sadd.s32 s5, s6  }
0x12c: {  	s6 =	smul.u32 $0xC80, s6;
	_ =	sdelay $0x1  }
0x12d: {  	[tilespmem:s0+$0x9AE0] =	vst.add.f32.msk $0xffff, v0;
	s20 =	sadd.s32 s7, s6  }
0x12e: {  	[hbm4b:s20+s23] =	stream.strided.scatter [tilespmem:s30], [sflag:$0x7], $0x3200, s19, s23, $0x38;
	[tilespmem:$0xFE00] =	vst v63  }
0x12f: {  	_ =	swait.ge [sflag:s24], $0x3200  }
0x130: {  	[sflag:s24] =	ssyncset.done $0x0  }
0x131: {  	s0 =	simm.s32 @p0 $0x4;
	[sflag:s24] =	ssyncadd.s32 $0xFFFFCE00  }
0x132: {  	_ =	swait.ge @p0 [sflag:s0], $0x2000  }
0x133: {  	[sflag:s0] =	ssyncset.done @p0 $0x0  }
0x134: {  	[sflag:s0] =	ssyncadd.s32 @p0 $0xFFFFE000  }
0x135: {  	_ =	swait.ge @p0 [sflag:s0], $0x1200  }
0x136: {  	[sflag:s0] =	ssyncset.done @p0 $0x0  }
0x137: {  	[sflag:s0] =	ssyncadd.s32 @p0 $0xFFFFEE00;
	s0 =	simm.s32 @!p0 $0xA  }
0x138: {  	_ =	swait.ge @!p0 [sflag:s0], $0x100  }
0x139: {  	s18 =	simm.s32 @!p0 $0x6800;
	[sflag:s0] =	ssyncset.done @!p0 $0x0  }
0x13a: {  	s6 =	simm.s32 @!p0 $0x3300;
	[sflag:s0] =	ssyncadd.s32 @!p0 $0xFFFFFF00;
	s0 =	simm.s32 @!p0 $0x80  }
0x13b: {  	[tilespmem:s18], [sflag:$0x2] =	stream.indirect.gather @!p0 [hbm4b:s4+s0], $0x40, s6, s0, $0xb8;
	[tilespmem:$0xFE00] =	vst v63  }
0x13c: {  	s0 =	simm.s32 @!p0 $0x48;
	s6 =	simm.s32 @!p0 $0x3380;
	s18 =	simm.s32 @!p0 $0x8800  }
0x13d: {  	[tilespmem:s18], [sflag:$0x2] =	stream.indirect.gather @!p0 [hbm4b:s4+s0], $0x40, s6, s0, $0xb8;
	[tilespmem:$0xFE00] =	vst v63  }
0x13e: {  	s0 =	simm.s32 @!p0 $0x4  }
0x13f: {  	_ =	swait.ge @!p0 [sflag:s0], $0x2000  }
0x140: {  	[sflag:s0] =	ssyncset.done @!p0 $0x0  }
0x141: {  	[sflag:s0] =	ssyncadd.s32 @!p0 $0xFFFFE000  }
0x142: {  	_ =	swait.ge @!p0 [sflag:s0], $0x1200  }
0x143: {  	s3 =	sadd.s32 @!p0 s3, s15;
	[sflag:s0] =	ssyncset.done @!p0 $0x0  }
0x144: {  	[sflag:s0] =	ssyncadd.s32 @!p0 $0xFFFFEE00;
	s0 =	sshll.u32 @!p0 s3, $0x5  }
0x145: {  	s6 =	simm.s32 @!p0 $0x3500;
	s3 =	simm.s32 @!p0 $0x0;
	s0 =	sadd.s32 @!p0 s1, s0  }
0x146: {  	[tilespmem:s6], [sflag:$0xC] =	stream.linear.gather @!p0 [hbm4b:s0+s3], $0x100, $0x38;
	[tilespmem:$0xFE00] =	vst v63  }
0x147: {  	s0 =	simm.s32 $0x0  }
0x148: {  	v0 =	vld [tilespmem:s0+$0xF0]  }
0x149: {  	v1 =	vld [tilespmem:s0+$0x0]  }
0x14a: {  	v2 =	vld [tilespmem:s0+$0x10]  }
0x14b: {  	v3 =	vld [tilespmem:s0+$0x20]  }
0x14c: {  	v4 =	vld [tilespmem:s0+$0x30]  }
0x14d: {  	v5 =	vld [tilespmem:s0+$0x40]  }
0x14e: {  	v6 =	vld [tilespmem:s0+$0x50]  }
0x14f: {  	v7 =	vld [tilespmem:s0+$0x60]  }
0x150: {  	v8 =	vld [tilespmem:s0+$0x70]  }
0x151: {  	v9 =	vld [tilespmem:s0+$0x80]  }
0x152: {  	v10 =	vld [tilespmem:s0+$0x90]  }
0x153: {  	v11 =	vld [tilespmem:s0+$0xA0]  }
0x154: {  	v12 =	vld [tilespmem:s0+$0xB0]  }
0x155: {  	v13 =	vld [tilespmem:s0+$0xC0]  }
0x156: {  	v14 =	vld [tilespmem:s0+$0xD0]  }
0x157: {  	[tilespmem:s0+$0xCCF0] =	vst.add.f32.msk $0xffff, v0  }
0x158: {  	v0 =	vld [tilespmem:s0+$0xE0]  }
0x159: {  	[tilespmem:s0+$0xCC00] =	vst.add.f32.msk $0xffff, v1  }
0x15a: {  	[tilespmem:s0+$0xCC10] =	vst.add.f32.msk $0xffff, v2  }
0x15b: {  	[tilespmem:s0+$0xCC20] =	vst.add.f32.msk $0xffff, v3  }
0x15c: {  	[tilespmem:s0+$0xCC30] =	vst.add.f32.msk $0xffff, v4  }
0x15d: {  	[tilespmem:s0+$0xCC40] =	vst.add.f32.msk $0xffff, v5  }
0x15e: {  	[tilespmem:s0+$0xCC50] =	vst.add.f32.msk $0xffff, v6  }
0x15f: {  	[tilespmem:s0+$0xCC60] =	vst.add.f32.msk $0xffff, v7  }
0x160: {  	[tilespmem:s0+$0xCC70] =	vst.add.f32.msk $0xffff, v8  }
0x161: {  	[tilespmem:s0+$0xCC80] =	vst.add.f32.msk $0xffff, v9  }
0x162: {  	[tilespmem:s0+$0xCC90] =	vst.add.f32.msk $0xffff, v10  }
0x163: {  	[tilespmem:s0+$0xCCA0] =	vst.add.f32.msk $0xffff, v11  }
0x164: {  	[tilespmem:s0+$0xCCB0] =	vst.add.f32.msk $0xffff, v12  }
0x165: {  	[tilespmem:s0+$0xCCC0] =	vst.add.f32.msk $0xffff, v13  }
0x166: {  	s3 =	simm.s32 $0x0;
	s6 =	simm.s32 $0x400;
	[tilespmem:s0+$0xCCD0] =	vst.add.f32.msk $0xffff, v14  }
.LBB2_9:
0x167: {  	s3 =	sadd.s32 $0x4, s3;
	[tilespmem:s0+$0xCCE0] =	vst.add.f32.msk $0xffff, v0;
	s0 =	sshra.s32 s6, $0x2  }
0x168: {  	v0 =	vld [tilespmem:s0+$0xF0];
	p1 =	slt.u32 s3, $0xC4  }
0x169: {  	v1 =	vld [tilespmem:s0+$0x0]  }
0x16a: {  	v2 =	vld [tilespmem:s0+$0x10]  }
0x16b: {  	v3 =	vld [tilespmem:s0+$0x20]  }
0x16c: {  	v4 =	vld [tilespmem:s0+$0x30]  }
0x16d: {  	[tilespmem:s0+$0xCCF0] =	vst.add.f32.msk $0xffff, v0  }
0x16e: {  	v5 =	vld [tilespmem:s0+$0x40]  }
0x16f: {  	v6 =	vld [tilespmem:s0+$0x50]  }
0x170: {  	v7 =	vld [tilespmem:s0+$0x60]  }
0x171: {  	v8 =	vld [tilespmem:s0+$0x70]  }
0x172: {  	v9 =	vld [tilespmem:s0+$0x80]  }
0x173: {  	v10 =	vld [tilespmem:s0+$0x90]  }
0x174: {  	v11 =	vld [tilespmem:s0+$0xA0]  }
0x175: {  	v12 =	vld [tilespmem:s0+$0xB0]  }
0x176: {  	v13 =	vld [tilespmem:s0+$0xC0]  }
0x177: {  	v14 =	vld [tilespmem:s0+$0xD0]  }
0x178: {  	v0 =	vld [tilespmem:s0+$0xE0]  }
0x179: {  	[tilespmem:s0+$0xCC00] =	vst.add.f32.msk $0xffff, v1  }
0x17a: {  	[tilespmem:s0+$0xCC10] =	vst.add.f32.msk $0xffff, v2  }
0x17b: {  	[tilespmem:s0+$0xCC20] =	vst.add.f32.msk $0xffff, v3  }
0x17c: {  	[tilespmem:s0+$0xCC30] =	vst.add.f32.msk $0xffff, v4  }
0x17d: {  	[tilespmem:s0+$0xCC40] =	vst.add.f32.msk $0xffff, v5  }
0x17e: {  	[tilespmem:s0+$0xCC50] =	vst.add.f32.msk $0xffff, v6  }
0x17f: {  	[tilespmem:s0+$0xCC60] =	vst.add.f32.msk $0xffff, v7  }
0x180: {  	[tilespmem:s0+$0xCC70] =	vst.add.f32.msk $0xffff, v8  }
0x181: {  	[tilespmem:s0+$0xCC80] =	vst.add.f32.msk $0xffff, v9  }
.Ltmp5:
0x182: {  	[tilespmem:s0+$0xCC90] =	vst.add.f32.msk $0xffff, v10;
	(pc) =	sbr.rel @p1 .LBB2_9-.Ltmp5, $4  }
0x183: {  	[tilespmem:s0+$0xCCA0] =	vst.add.f32.msk $0xffff, v11  }
0x184: {  	[tilespmem:s0+$0xCCB0] =	vst.add.f32.msk $0xffff, v12  }
0x185: {  	[tilespmem:s0+$0xCCC0] =	vst.add.f32.msk $0xffff, v13  }
0x186: {  	s6 =	sadd.s32 $0x400, s6;
	[tilespmem:s0+$0xCCD0] =	vst.add.f32.msk $0xffff, v14  }
0x187: {  	s3 =	sadd.s32 s5, s31  }
0x188: {  	s3 =	smul.u32 $0xC80, s3;
	_ =	sdelay $0x1  }
.Ltmp6:
0x189: {  	[tilespmem:s0+$0xCCE0] =	vst.add.f32.msk $0xffff, v0;
	s31 =	sadd.s32 s7, s3;
	(pc) =	sbr.rel @p0 .LBB2_12-.Ltmp6, $4  }
0x18a: {  	[hbm4b:s31+s23] =	stream.strided.scatter [tilespmem:s28], [sflag:$0x8], $0x3200, s19, s23, $0x38;
	[tilespmem:$0xFE00] =	vst v63  }
0x18b: {  	_ =	swait.ge [sflag:s16], $0x3200  }
0x18c: {  	[sflag:s16] =	ssyncset.done $0x0  }
0x18d: {  	[sflag:s16] =	ssyncadd.s32 $0xFFFFCE00  }
0x18e: {  	_ =	swait.ge [sflag:s8], $0x100  }
.Ltmp7:
0x18f: {  	[sflag:s8] =	ssyncset.done $0x0;
	(pc) =	sbr.rel .LBB2_2-.Ltmp7, $4  }
0x190: {  	[sflag:s8] =	ssyncadd.s32 $0xFFFFFF00  }
0x191: {  	[tilespmem:s30], [sflag:$0x3] =	stream.indirect.gather [hbm4b:s4+s19], $0x40, s29, s19, $0xb8;
	[tilespmem:$0xFE00] =	vst v63  }
0x192: {  	s0 =	simm.s32 $0x3480;
	s3 =	simm.s32 $0xBA00;
	s17 =	sadd.s32 $0x1, s17  }
0x193: {  	[tilespmem:s3], [sflag:$0x3] =	stream.indirect.gather [hbm4b:s4+s21], $0x40, s0, s21, $0xb8;
	[tilespmem:$0xFE00] =	vst v63  }
.LBB2_13:
0x194: {  	_ =	sfence.sel $0x180000  }
0x195: {  	[bflag:$0x0] =	sbarrier.arrive $0xFFFF  }
0x196: {  	_ =	strace $0x90000047  }
0x197: {  	s0 =	stileid.u32;
	[bflag:$0x2] =	sbarrier.arrive $0xFFFF  }
0x198: {  	p0 =	sne.s32 s0, $0x0;
	s0 =	rddreg [dreg:$0x2]  }
0x199: {  	s0 =	sadd.s32 @!p0 $0x100000, s0  }
0x19a: {  	[sflag:s0] =	ssyncadd.tile.s32 @!p0 $0x1;
	_ =	shalt  }
.Lfunc_end2:
_tile_overlayer_lowered:
.L_overlay_start_2:
0x19b: {  	(tag) =	ssettag $0x2  }
0x19c: {  	s0 =	rddreg [dreg:$0x0];
	s2 =	stileid.u32  }
0x19d: {  	s1 =	rddreg [dreg:$0x1];
	p0 =	sne.s32 s2, $0x0  }
0x19e: {  	s3 =	rddreg [dreg:$0x2];
	[bflag:$0x3] =	sbarrier.arrive $0xFFFF;
	s2 =	simm.s32 @!p0 $0x1C0D  }
0x19f: {  	[timem:s3], [sflag:s2] =	dma.local @!p0 [hbm:s0], s1  }
0x1a0: {  	s0 =	simm.s32 @!p0 $0xD  }
0x1a1: {  	_ =	swait.ge @!p0 [sflag:s0], s1  }
0x1a2: {  	s1 =	ssub.s32 @!p0 $0x0, s1;
	[sflag:s0] =	ssyncset.done @!p0 $0x0  }
0x1a3: {  	[sflag:s0] =	ssyncadd.s32 @!p0 s1  }
0x1a4: {  	[bflag:$0x3] =	sbarrier.arrive $0xFFFF  }
0x1a5: {  	_ =	shalt  }

// kernel: sparse-core-data-format-call.cloned.1.call-start
scs
called_computation_lowered:
.L_overlay_start_0:
0x0: {  	s2 =	sld [smem:$0x3FD9]  }
0x1: {  	s3 =	sld [smem:$0x3FFE];
	_ =	sdelay $0x1  }
0x2: {  	s1 =	srdreg.scid  }
0x3: {  	s0 =	sand.u32 $0x1, s1  }
0x4: {  	s18 =	sshll.u32 s0, $0xA;
	s2 =	sadd.s32 s3, s2  }
0x5: {  	s2 =	sadd.s32 s2, s18  }
0x6: {  	[smem:$0x3FC5] =	sst s2  }
0x7: {  	_ = 	snop  }
0x8: {  	s2 =	sld [smem:$0x3FD0];
	(tm) =	ssettm $0x1  }
0x9: {  	s19 =	sld [smem:$0x3FFB];
	_ =	sdelay $0x3  }
0xa: {  	_ =	strace s19  }
0xb: {  	s3 =	sld [smem:$0x3FFC];
	_ =	sdelay $0x3  }
0xc: {  	_ =	strace s3  }
0xd: {  	s3 =	sld [smem:$0x3FFD];
	_ =	sdelay $0x3  }
0xe: {  	_ =	strace s3  }
0xf: {  	_ =	strace $0x8FFFFFFF  }
0x10: {  	s20 =	sld [smem:$0x3FDB];
	_ =	sdelay $0x1  }
0x11: {  	s4 =	simm.s32 $_scs_section_size  }
0x12: {  	s5 =	simm.s32 $_size__tile_overlayer_lowered;
	s6 =	simm.s32 $_tile_overlayer_lowered  }
0x13: {  	s23 =	simm.s32 $0x1BFF;
	s22 =	sshll.u32 s6, $0x1;
	s3 =	sadd.s32 s4, s20  }
0x14: {  	s7 =	simm.s32 $0x0;
	s21 =	sshll.u32 s5, $0x1;
	s5 =	sadd.s32 s22, s3  }
0x15: {  	[timem:s7], [sflag:s23] =	dma.local [hbm:s5], s21  }
0x16: {  	_ =	swait.ge [sflag:s23], s21  }
0x17: {  	s4 =	ssub.s32 $0x0, s21;
	[sflag:s23] =	ssyncset.done $0x0  }
0x18: {  	[sflag:s23] =	ssyncadd.s32 s4;
	_ =	sdelay $0x1  }
0x19: {  	s24 =	simm.s32 $0x1B8B  }
0x1a: {  	_ =	swait.ge [sflag:s24], $0x1  }
0x1b: {  	[sflag:s24] =	ssyncset.done $0x0  }
0x1c: {  	s26 =	simm.s32 $0x1B8E;
	s25 =	sld [smem:$0x3FFE];
	[sflag:s24] =	ssyncadd.s32 $0xFFFFFFFF  }
0x1d: {  	s27 =	simm.s32 $execute0_lowered;
	[smem:$0x3FD2] =	sst s26  }
0x1e: {  	s5 =	sshll.u32 s27, $0x1;
	_ =	strace $0x80000049;
	[dreg:$0x1] =	wrdreg $0xFFFFFFFF  }
0x1f: {  	s28 =	simm.s32 $_size_execute0_lowered;
	s3 =	sadd.s32 s3, s5;
	[dreg:$0x0] =	wrdreg $0x0  }
0x20: {  	s5 =	sshll.u32 s28, $0x1;
	[dreg:$0x2] =	wrdreg s3  }
0x21: {  	[dreg:$0x3] =	wrdreg s5  }
0x22: {  	[dreg:$0x4] =	wrdreg $0xC0  }
0x23: {  	_ =	task [dreg:s7], $0x5FFFF  }
0x24: {  	[dreg:$0x1] =	wrdreg $0xFFFFFFFF  }
0x25: {  	[dreg:$0x0] =	wrdreg $0x60  }
0x26: {  	[dreg:$0x2] =	wrdreg s25  }
0x27: {  	[dreg:$0x3] =	wrdreg s2  }
0x28: {  	[dreg:$0x4] =	wrdreg $0x9  }
0x29: {  	_ =	task.clear_ibuf [dreg:s7], $0x5FFFF;
	_ =	strace $0x90000049  }
0x2a: {  	s29 =	simm.s32 $0x9;
	_ =	strace $0x8000004B  }
0x2b: {  	_ =	swait.ge [sflag:s29], $0x1  }
0x2c: {  	[sflag:s29] =	ssyncadd.s32 $0xFFFFFFFF  }
0x2d: {  	_ =	strace $0x9000004B  }
0x2e: {  	_ =	sfence  }
0x2f: {  	s30 =	sld [smem:$0x0];
	_ =	sdelay $0x2  }
0x30: {  	s31 =	sshll.u32 s1, $0xD;
	s1 =	sshrl.u32 s1, $0x2  }
0x31: {  	s3 =	sand.u32 $0x4000, s31;
	s1 =	sadd.s32 s1, s30  }
0x32: {  	s0 =	sor.u32 s3, s0;
	s1 =	sshll.u32 s1, $0x11  }
0x33: {  	s0 =	sor.u32 s1, s0  }
0x34: {  	s0 =	sadd.s32 $0x8F2B, s0  }
0x35: {  	[sflag:s0] =	ssyncadd.remote.s32 $0x1  }
0x36: {  	_ =	sfence.sel $0xFFFF  }
0x37: {  	[dreg:$0x0] =	wrdreg $0xFFFFFFFF;
	(pc) =	sbr.abs _section_cstart, $3  }
0x38: {  	[dreg:$0x1] =	wrdreg $0xFFFFFFFF  }
0x39: {  	_ =	task.clear_ibuf [dreg:s7], $0x2FFFF;
	_ =	strace $0x9FFFFFFF  }
0x3a: {  	(tm) =	ssettm $0x7FFFFFFF  }
0x3b: {  	_ =	shalt  }
tec
execute0_lowered:
.L_overlay_start_1:
0x0: {  	(tag) =	ssettag $0x1  }
0x1: {  	s0 =	srdreg.scid  }
0x2: {  	s1 =	sshll.u32 s0, $0x4  }
0x3: {  	s0 =	stileid.u32;
	s1 =	sand.u32 $0x10, s1  }
0x4: {  	s1 =	sor.u32 s0, s1  }
0x5: {  	s6 =	rddreg [dreg:$0x0];
	s4 =	simm.s32 $0x1;
	s2 =	sshll.u32 s1, $0x7  }
0x6: {  	s7 =	simm.s32 $0x2;
	s12 =	simm.s32 $0x0;
	s1 =	ssub.s32 $0x1000, s2  }
0x7: {  	s8 =	simm.s32 $0x8000;
	s13 =	simm.s32 $0x0;
	s3 =	sand.u32 $0xF80, s1  }
0x8: {  	s9 =	simm.s32 $0x0;
	s5 =	sshrl.u32 s1, $0xC;
	p0 =	sne.s32 s3, $0x0  }
.Ltmp0:
0x9: {  	s1 =	rddreg [dreg:$0x2];
	s4 =	simm.s32 @!p0 $0x0;
	(pc) =	sbr.rel .LBB1_1-.Ltmp0, $4  }
0xa: {  	s11 =	simm.s32 $0x0;
	s3 =	rddreg [dreg:$0x1];
	s5 =	sadd.s32 s4, s5  }
0xb: {  	_ =	strace $0x8000004A;
	s4 =	simm.s32 $0x1;
	s5 =	smul.u32 $0xC8, s5  }
0xc: {  	s6 =	sadd.s32 $0xF43400, s6;
	s10 =	smov.u32 s2;
	[sflag:s4] =	ssyncpa.u1 $0x0  }
0xd: {  	p0 =	por $0x0, $0x0;
	[sflag:s7] =	ssyncpa.u1 $0x0;
	s7 =	sor.u32 $0x1, s5  }
.LBB1_4:
0xe: {  	s16 =	sshll.u32 s13, $0x3;
	s17 =	sand.u32 $0x78, s13  }
0xf: {  	s30 =	sand.u32 $0x7E00, s13;
	s12 =	sshll.u32 s12, $0xF;
	s16 =	sand.u32 $0xC00, s16  }
0x10: {  	[tilespmem:s15+$0x810 ss:$0x81] =	vst.msk $0xffff, v2;
	s31 =	sand.u32 $0x7, s13;
	s16 =	sor.u32 s17, s16;
	s17 =	sadd.s32 s3, s30  }
0x11: {  	[tilespmem:s15+$0x1020 ss:$0x81] =	vst.msk $0xffff, v0;
	s13 =	sshll.u32 s31, $0x12;
	s12 =	sadd.s32 s12, s17;
	s16 =	sshrl.u32 s16, $0x3  }
0x12: {  	[tilespmem:s15+$0x0 ss:$0x81] =	vst.msk $0xffff, v1;
	s13 =	sor.u32 $0x400, s13;
	s12 =	sadd.s32 s16, s12  }
0x13: {  	[hbm4b:s12+s13] =	stream.strided.scatter [tilespmem:s14], [sflag:$0x2], $0x2000, s8, s13, $0x20;
	[tilespmem:$0x8080] =	vst v63  }
.LBB1_5:
0x14: {  	s14 =	sadd.s32 $0x1, s9  }
0x15: {  	s12 =	sadd.s32 $0x1000, s10;
	s16 =	smov.u32 s10;
	p2 =	sgt.s32 s14, $0xC7  }
0x16: {  	s16 =	smov.u32 @p2 s12  }
0x17: {  	s14 =	simm.s32 @p2 $0x0;
	p2 =	sgt.s32 s16, $0xFFF  }
0x18: {  	s16 =	smov.u32 @p2 s2;
	p2 =	sne.s32 s11, s7  }
.Ltmp1:
0x19: {  	p1 =	slt.u32 s11, $0x2;
	(pc) =	sbr.rel @!p2 .LBB1_6-.Ltmp1, $4  }
0x1a: {  	s15 =	simm.s32 @!p1 $0x2  }
0x1b: {  	s13 =	smov.u32 s10;
	p0 =	por !p0, !p0;
	_ =	swait.ge @!p1 [sflag:s15], $0x2000  }
0x1c: {  	s12 =	smov.u32 s9;
	[sflag:s15] =	ssyncset.done @!p1 $0x0;
	s9 =	smov.u32 s14  }
0x1d: {  	s11 =	sadd.s32 $0x1, s11;
	[sflag:s15] =	ssyncadd.s32 @!p1 $0xFFFFE000;
	s10 =	smov.u32 s16  }
.LBB1_1:
0x1e: {  	p1 =	sge.u32 s11, s5  }
0x1f: {  	s14 =	sand.u32 @!p1 $0x1FFFFFF, s9  }
0x20: {  	s15 =	smulhi.u32 @!p1 $0x147AE15, s14;
	_ =	sdelay $0x1  }
0x21: {  	s15 =	smul.u32 @!p1 $0xC8, s15  }
0x22: {  	s16 =	sxor.u32 @!p1 $0xFFFFFFFF, s11;
	s17 =	smul.u32 @!p1 $0xC80, s10  }
0x23: {  	s31 =	sadd.s32 $0xFFFFFFFF, s11;
	s16 =	sshll.u32 @!p1 s16, $0xD;
	s14 =	ssub.s32 @!p1 s14, s15  }
0x24: {  	s15 =	sand.u32 @!p1 $0x2000, s16;
	s16 =	sadd.s32 @!p1 s6, s17;
	s14 =	sshll.u32 @!p1 s14, $0x4  }
0x25: {  	s17 =	simm.s32 @!p1 $0x6400;
	s14 =	sadd.s32 @!p1 s14, s16;
	s16 =	simm.s32 @!p1 $0x40  }
0x26: {  	[tilespmem:s15], [sflag:$0x1] =	stream.strided.gather @!p1 [hbm4b:s14+s16], $0x2000, s17, s16, $0x38;
	[tilespmem:$0x8080] =	vst v63  }
0x27: {  	p1 =	sge.u32 s31, s5  }
.Ltmp2:
0x28: {  	_ = 	snop;
	(pc) =	sbr.rel @p1 .LBB1_5-.Ltmp2, $1  }
0x29: {  	_ =	sdelay $0x3  }
0x2a: {  	s14 =	simm.s32 $0x1  }
0x2b: {  	_ =	swait.ge [sflag:s4], $0x2000;
	s14 =	simm.s32 @!p0 $0x0  }
0x2c: {  	[sflag:s4] =	ssyncset.done $0x0;
	s15 =	sshll.u32 s14, $0xD  }
0x2d: {  	[sflag:s4] =	ssyncadd.s32 $0xFFFFE000;
	s18 =	sor.u32 $0x20, s15  }
0x2e: {  	s14 =	smul.u32 $0x8100, s14;
	v3 =	vld [tilespmem:s18+$0x10]  }
0x2f: {  	s30 =	sand.u32 $0x1, s11;
	v2 =	vld [tilespmem:s18+$0xFFFFFFF0]  }
0x30: {  	s15 =	smul.u32 $0x8100, s30;
	s14 =	sshrl.u32 s14, $0x2;
	v0 =	vld [tilespmem:s18+$0x0]  }
0x31: {  	v1 =	vld [tilespmem:s18+$0xFFFFFFE0];
	s16 =	sor.u32 $0x4000, s14  }
0x32: {  	s31 =	sshrl.u32 s15, $0x2;
	s15 =	sadd.s32 $0x0, s16  }
0x33: {  	s17 =	simm.s32 $0x4;
	s18 =	sadd.s32 $0x40, s18;
	s14 =	sor.u32 $0x4000, s31;
	[tilespmem:s15+$0x1830 ss:$0x81] =	vst.msk $0xffff, v3  }
.LBB1_3:
0x34: {  	v3 =	vld [tilespmem:s18+$0x10];
	p1 =	sne.s32 s17, $0x1FC;
	[tilespmem:s15+$0x810 ss:$0x81] =	vst.msk $0xffff, v2;
	s19 =	smov.u32 s17;
	s17 =	sadd.s32 $0x4, s17  }
.Ltmp3:
0x35: {  	v2 =	vld [tilespmem:s18+$0xFFFFFFF0];
	[tilespmem:s15+$0x1020 ss:$0x81] =	vst.msk $0xffff, v0;
	(pc) =	sbr.rel @p1 .LBB1_3-.Ltmp3, $4  }
0x36: {  	v0 =	vld [tilespmem:s18+$0x0];
	[tilespmem:s15+$0x0 ss:$0x81] =	vst.msk $0xffff, v1  }
0x37: {  	s15 =	sshra.s32 s19, $0x2;
	v1 =	vld [tilespmem:s18+$0xFFFFFFE0]  }
0x38: {  	s15 =	sadd.s32 s15, s16  }
0x39: {  	s18 =	sadd.s32 $0x40, s18;
	[tilespmem:s15+$0x1830 ss:$0x81] =	vst.msk $0xffff, v3  }
.Ltmp4:
0x3a: {  	_ = 	snop;
	(pc) =	sbr.rel .LBB1_4-.Ltmp4, $1  }
0x3b: {  	_ =	sdelay $0x3  }
.LBB1_6:
0x3c: {  	_ =	sfence.sel $0x180000  }
0x3d: {  	s2 =	simm.s32 $0x1;
	[bflag:$0x0] =	sbarrier.arrive $0xFFFF  }
0x3e: {  	s31 =	simm.s32 $0x2;
	[sflag:s2] =	ssyncpa.u1 $0x1  }
0x3f: {  	[sflag:s31] =	ssyncpa.u1 $0x1  }
0x40: {  	p0 =	sne.s32 s0, $0x0;
	_ =	strace $0x9000004A  }
0x41: {  	s0 =	sadd.s32 @!p0 $0x100000, s1;
	[bflag:$0x2] =	sbarrier.arrive $0xFFFF  }
0x42: {  	[sflag:s0] =	ssyncadd.tile.s32 @!p0 $0x1;
	_ =	shalt  }
.Lfunc_end1:
_tile_overlayer_lowered:
.L_overlay_start_2:
0x43: {  	(tag) =	ssettag $0x2  }
0x44: {  	s0 =	rddreg [dreg:$0x0];
	s2 =	stileid.u32  }
0x45: {  	s1 =	rddreg [dreg:$0x1];
	p0 =	sne.s32 s2, $0x0  }
0x46: {  	s3 =	rddreg [dreg:$0x2];
	[bflag:$0x3] =	sbarrier.arrive $0xFFFF;
	s2 =	simm.s32 @!p0 $0x1C01  }
0x47: {  	[timem:s3], [sflag:s2] =	dma.local @!p0 [hbm:s0], s1  }
0x48: {  	s0 =	simm.s32 @!p0 $0x1  }
0x49: {  	_ =	swait.ge @!p0 [sflag:s0], s1  }
0x4a: {  	s1 =	ssub.s32 @!p0 $0x0, s1;
	[sflag:s0] =	ssyncset.done @!p0 $0x0  }
0x4b: {  	[sflag:s0] =	ssyncadd.s32 @!p0 s1  }
0x4c: {  	[bflag:$0x3] =	sbarrier.arrive $0xFFFF  }
0x4d: {  	_ =	shalt  }

</sc_bundles>
